<compile_context>
chip_gen: v7x
topology: tpu7x:2x2x1
jax: 0.10.2.dev20260603
libtpu: 0.0.44.dev20260713+nightly
codegen_flags: <defaults>
</compile_context>

<pallas_src>
import functools

import jax
import jax.numpy as jnp
from jax import lax
from jax.experimental import pallas as pl
from jax.experimental.pallas import tpu as pltpu
from jax.experimental.pallas import tpu_sc as plsc

D_MODEL = 512
HALF = D_MODEL // 2
MAX_SIZE = 512
N = 100000
CHUNK = 40
NUM_CHUNKS = N // CHUNK
NUM_WORKERS = 32
BASE_ITERS = NUM_CHUNKS // NUM_WORKERS
EXTRA = NUM_CHUNKS - BASE_ITERS * NUM_WORKERS
MAX_ITERS = BASE_ITERS + 1
DEPTH = 2
IDX_PAD = MAX_ITERS * CHUNK


def _gather_body(xs_hbm, ys_hbm, pe_hbm, out_hbm, x_v, y_v, rows_v, sem0, sem1):
    sems = (sem0, sem1)
    wid = lax.axis_index("s") * 2 + lax.axis_index("c")
    start = wid * BASE_ITERS + lax.min(wid, EXTRA)
    count = BASE_ITERS + jnp.where(wid < EXTRA, 1, 0)
    last = count - 1
    pre = pl.multiple_of(lax.min(start * CHUNK, N - IDX_PAD), 8)
    delta = start * CHUNK - pre
    pltpu.sync_copy(xs_hbm.at[pl.ds(pre, IDX_PAD)], x_v)
    pltpu.sync_copy(ys_hbm.at[pl.ds(pre, IDX_PAD)], y_v)

    def issue(slot, b):
        off = pl.multiple_of(lax.min(slot, last) * CHUNK + delta, 8)
        pltpu.async_copy(
            pe_hbm.at[x_v.at[pl.ds(off, CHUNK)]],
            rows_v.at[b, slice(None), pl.ds(0, HALF)],
            sems[b],
        )
        pltpu.async_copy(
            pe_hbm.at[y_v.at[pl.ds(off, CHUNK)]],
            rows_v.at[b, slice(None), pl.ds(HALF, HALF)],
            sems[b],
        )

    def wait(b):
        pltpu.make_async_copy(
            pe_hbm.at[x_v.at[pl.ds(0, CHUNK)]],
            rows_v.at[b, slice(None), pl.ds(0, HALF)],
            sems[b],
        ).wait()
        pltpu.make_async_copy(
            pe_hbm.at[y_v.at[pl.ds(0, CHUNK)]],
            rows_v.at[b, slice(None), pl.ds(HALF, HALF)],
            sems[b],
        ).wait()

    def store(slot, b):
        base = pl.multiple_of((start + lax.min(slot, last)) * CHUNK, 8)
        pltpu.sync_copy(rows_v.at[b], out_hbm.at[pl.ds(base, CHUNK)])

    for s in range(DEPTH - 1):
        issue(s, s)
    steps = (count + DEPTH - 1) >> 1

    def body(j, carry):
        for b in range(DEPTH):
            slot = DEPTH * j + b
            issue(slot + DEPTH - 1, (b + DEPTH - 1) % DEPTH)
            wait(b)
            store(slot, b)
        return carry

    lax.fori_loop(0, steps, body, 0)
    for b in range(DEPTH - 1):
        wait(b)


@jax.jit
def _pe_lookup(xs, ys, pe):
    mesh = plsc.VectorSubcoreMesh(core_axis_name="c", subcore_axis_name="s")
    f = functools.partial(
        pl.kernel,
        mesh=mesh,
        out_type=jax.ShapeDtypeStruct((N, D_MODEL), jnp.float32),
        scratch_types=[
            pltpu.VMEM((IDX_PAD,), jnp.int32),
            pltpu.VMEM((IDX_PAD,), jnp.int32),
            pltpu.VMEM((DEPTH, CHUNK, D_MODEL), jnp.float32),
            pltpu.SemaphoreType.DMA,
            pltpu.SemaphoreType.DMA,
        ],
    )(_gather_body)
    return f(xs, ys, pe)


REPL = 8


def kernel(coords, pe):
    cids = jnp.clip(coords.astype(jnp.int32), 0, MAX_SIZE - 1)
    c = jnp.arange(N, dtype=jnp.int32)
    offx = (c % REPL) * MAX_SIZE
    offy = ((c + REPL // 2) % REPL) * MAX_SIZE
    xs = cids[:, 0] + offx
    ys = cids[:, 1] + offy
    pe_rep = jnp.concatenate([pe] * REPL)
    return _pe_lookup(xs, ys, pe_rep)

# --- scband reference (transcript-rebuilt; emitter-appended) ---
"""Pipeline reference for scband-positional-encoding2-d-88493506167310 (READ-ONLY COPY).

The authoritative reference and input builder live on the scoring server;
editing this copy changes nothing except your own understanding.
"""

import jax, jax.numpy as jnp
import numpy as np
import math

D_MODEL = 512
MAX_SIZE = 512
N = 100000

def _build_pe():
    half = D_MODEL // 2
    pe = np.zeros((MAX_SIZE, half), dtype=np.float32)
    position = np.arange(0, MAX_SIZE, dtype=np.float32)[:, None]
    div_term = np.exp(np.arange(0, half, 2, dtype=np.float32) * (-math.log(10000.0) / half))
    pe[:, 0::2] = np.sin(position * div_term)
    pe[:, 1::2] = np.cos(position * div_term)
    return jnp.asarray(pe)

def setup_inputs(seed: int = 0) -> dict:
    key = jax.random.key(seed)
    coords = jax.random.randint(key, (N, 2), 0, MAX_SIZE)
    pe = _build_pe()
    return {"coords": coords, "pe": pe}

def reference(coords, pe):
    x = jnp.clip(coords[:, 0].astype(jnp.int32), 0, MAX_SIZE - 1)
    y = jnp.clip(coords[:, 1].astype(jnp.int32), 0, MAX_SIZE - 1)
    enc_x = jnp.take(pe, x, axis=0)
    enc_y = jnp.take(pe, y, axis=0)
    return jnp.concatenate([enc_x, enc_y], axis=1)

if __name__ == "__main__":
    import jax
    _d = setup_inputs()
    print(jax.jit(kernel)(*tuple(_d.values())))

</pallas_src>

<mosaic_0001>
#map = affine_map<(d0, d1) -> (0)>
#map1 = affine_map<(d0, d1) -> (0, 0)>
module attributes {stable_mosaic.version = 14 : i64} {
  func.func @_gather_body(%arg0: i32, %arg1: i32, %arg2: memref<100000xi32, #tpu.memory_space<hbm>>, %arg3: memref<100000xi32, #tpu.memory_space<hbm>>, %arg4: memref<4096x256xf32, #tpu.memory_space<hbm>>, %arg5: memref<100000x512xf32, #tpu.memory_space<hbm>>, %arg6: memref<3160xi32, #tpu.memory_space<vmem>>, %arg7: memref<3160xi32, #tpu.memory_space<vmem>>, %arg8: memref<2x40x512xf32, #tpu.memory_space<vmem>>, %arg9: memref<!tpu.dma_semaphore, #tpu.memory_space<semaphore_mem>>, %arg10: memref<!tpu.dma_semaphore, #tpu.memory_space<semaphore_mem>>) attributes {dimension_semantics = [#tpu.dimension_semantics<core_parallel>, #tpu.dimension_semantics<subcore_parallel>], iteration_bounds = array<i64: 2, 16>, scalar_prefetch = 0 : i64, scratch_operands = 5 : i64, tpu.core_type = #tpu.core_type<sc_vector_subcore>, window_params = [{transform_indices = #map}, {transform_indices = #map}, {transform_indices = #map1}, {transform_indices = #map1}]} {
    %mul3A = arith.constant 2 : i32
    %mul3A_0 = arith.muli %arg1, %mul3A : i32
    %add3A = arith.addi %mul3A_0, %arg0 : i32
    %mul3A_1 = arith.constant 78 : i32
    %mul3A_2 = arith.muli %add3A, %mul3A_1 : i32
    %min3A = arith.constant 4 : i32
    %min3A_3 = arith.minsi %add3A, %min3A : i32
    %add3A_4 = arith.addi %mul3A_2, %min3A_3 : i32
    %lt3A = arith.constant 4 : i32
    %lt3A_5 = arith.cmpi slt, %add3A, %lt3A : i32
    %jit3A = arith.constant 1 : i32
    %jit3A_6 = arith.constant 0 : i32
    %select_n3A = arith.select %lt3A_5, %jit3A, %jit3A_6 : i32
    %add3A_7 = arith.constant 78 : i32
    %add3A_8 = arith.addi %add3A_7, %select_n3A : i32
    %sub3A = arith.constant 1 : i32
    %sub3A_9 = arith.subi %add3A_8, %sub3A : i32
    %mul3A_10 = arith.constant 40 : i32
    %mul3A_11 = arith.muli %add3A_4, %mul3A_10 : i32
    %min3A_12 = arith.constant 96840 : i32
    %min3A_13 = arith.minsi %mul3A_11, %min3A_12 : i32
    %multiple_of3A = tpu.assume_multiple %min3A_13, 8 : i32
    %mul3A_14 = arith.constant 40 : i32
    %mul3A_15 = arith.muli %add3A_4, %mul3A_14 : i32
    %sub3A_16 = arith.subi %mul3A_15, %multiple_of3A : i32
    "tpu.region"() ({
      %run_scoped3A = tpu.sem_alloc : memref<!tpu.dma_semaphore, #tpu.memory_space<semaphore_mem>>
      %dma_start3A_73 = tpu.memref_slice %arg2[%multiple_of3A] : memref<100000xi32, #tpu.memory_space<hbm>> -> memref<3160xi32, #tpu.memory_space<hbm>>
      %dma_start3A_74 = tpu.memref_slice %arg2[%multiple_of3A] : memref<100000xi32, #tpu.memory_space<hbm>> -> memref<3160xi32, #tpu.memory_space<hbm>>
      tpu.enqueue_dma source(%dma_start3A_74 : memref<3160xi32, #tpu.memory_space<hbm>>) target(%arg6 : memref<3160xi32, #tpu.memory_space<vmem>>) target_semaphore(%run_scoped3A : memref<!tpu.dma_semaphore, #tpu.memory_space<semaphore_mem>>)
      %dma_wait3A_75 = tpu.memref_slice %arg2[%multiple_of3A] : memref<100000xi32, #tpu.memory_space<hbm>> -> memref<3160xi32, #tpu.memory_space<hbm>>
      %dma_wait3A_76 = tpu.memref_slice %arg2[%multiple_of3A] : memref<100000xi32, #tpu.memory_space<hbm>> -> memref<3160xi32, #tpu.memory_space<hbm>>
      tpu.wait_dma2 semaphore(%run_scoped3A : memref<!tpu.dma_semaphore, #tpu.memory_space<semaphore_mem>>) src(%dma_wait3A_76 : memref<3160xi32, #tpu.memory_space<hbm>>) dst(%arg6 : memref<3160xi32, #tpu.memory_space<vmem>>)
      tpu.yield
    }) : () -> ()
    "tpu.region"() ({
      %run_scoped3A = tpu.sem_alloc : memref<!tpu.dma_semaphore, #tpu.memory_space<semaphore_mem>>
      %dma_start3A_73 = tpu.memref_slice %arg3[%multiple_of3A] : memref<100000xi32, #tpu.memory_space<hbm>> -> memref<3160xi32, #tpu.memory_space<hbm>>
      %dma_start3A_74 = tpu.memref_slice %arg3[%multiple_of3A] : memref<100000xi32, #tpu.memory_space<hbm>> -> memref<3160xi32, #tpu.memory_space<hbm>>
      tpu.enqueue_dma source(%dma_start3A_74 : memref<3160xi32, #tpu.memory_space<hbm>>) target(%arg7 : memref<3160xi32, #tpu.memory_space<vmem>>) target_semaphore(%run_scoped3A : memref<!tpu.dma_semaphore, #tpu.memory_space<semaphore_mem>>)
      %dma_wait3A_75 = tpu.memref_slice %arg3[%multiple_of3A] : memref<100000xi32, #tpu.memory_space<hbm>> -> memref<3160xi32, #tpu.memory_space<hbm>>
      %dma_wait3A_76 = tpu.memref_slice %arg3[%multiple_of3A] : memref<100000xi32, #tpu.memory_space<hbm>> -> memref<3160xi32, #tpu.memory_space<hbm>>
      tpu.wait_dma2 semaphore(%run_scoped3A : memref<!tpu.dma_semaphore, #tpu.memory_space<semaphore_mem>>) src(%dma_wait3A_76 : memref<3160xi32, #tpu.memory_space<hbm>>) dst(%arg7 : memref<3160xi32, #tpu.memory_space<vmem>>)
      tpu.yield
    }) : () -> ()
    %min3A_17 = arith.constant 0 : i32
    %min3A_18 = arith.minsi %min3A_17, %sub3A_9 : i32
    %mul3A_19 = arith.constant 40 : i32
    %mul3A_20 = arith.muli %min3A_18, %mul3A_19 : i32
    %add3A_21 = arith.addi %mul3A_20, %sub3A_16 : i32
    %multiple_of3A_22 = tpu.assume_multiple %add3A_21, 8 : i32
    %dma_start3A = arith.constant 0 : i32
    %dma_start3A_23 = arith.constant 0 : i32
    %dma_start3A_24 = arith.constant 0 : i32
    %dma_start3A_25 = tpu.memref_slice %arg8[%dma_start3A, %dma_start3A_23, %dma_start3A_24] : memref<2x40x512xf32, #tpu.memory_space<vmem>> -> memref<1x40x256xf32, #tpu.memory_space<vmem>>
    %dma_start3A_26 = tpu.memref_squeeze %dma_start3A_25 : memref<1x40x256xf32, #tpu.memory_space<vmem>> -> memref<40x256xf32, #tpu.memory_space<vmem>>
    %dma_start3A_27 = tpu.memref_slice %arg6[%multiple_of3A_22] : memref<3160xi32, #tpu.memory_space<vmem>> -> memref<40xi32, #tpu.memory_space<vmem>>
    %dma_start3A_28 = arith.constant 0 : i32
    %dma_start3A_29 = arith.constant 0 : i32
    %dma_start3A_30 = tpu.memref_slice %arg4[%dma_start3A_28, %dma_start3A_29] : memref<4096x256xf32, #tpu.memory_space<hbm>> -> memref<4096x256xf32, #tpu.memory_space<hbm>>
    tpu.enqueue_indirect_dma source(%dma_start3A_30 : memref<4096x256xf32, #tpu.memory_space<hbm>>) target(%dma_start3A_26 : memref<40x256xf32, #tpu.memory_space<vmem>>) offsets(%dma_start3A_27 : memref<40xi32, #tpu.memory_space<vmem>>) semaphore(%arg9 : memref<!tpu.dma_semaphore, #tpu.memory_space<semaphore_mem>>)
    %dma_start3A_31 = arith.constant 0 : i32
    %dma_start3A_32 = arith.constant 0 : i32
    %dma_start3A_33 = arith.constant 256 : i32
    %dma_start3A_34 = tpu.memref_slice %arg8[%dma_start3A_31, %dma_start3A_32, %dma_start3A_33] : memref<2x40x512xf32, #tpu.memory_space<vmem>> -> memref<1x40x256xf32, #tpu.memory_space<vmem>>
    %dma_start3A_35 = tpu.memref_squeeze %dma_start3A_34 : memref<1x40x256xf32, #tpu.memory_space<vmem>> -> memref<40x256xf32, #tpu.memory_space<vmem>>
    %dma_start3A_36 = tpu.memref_slice %arg7[%multiple_of3A_22] : memref<3160xi32, #tpu.memory_space<vmem>> -> memref<40xi32, #tpu.memory_space<vmem>>
    %dma_start3A_37 = arith.constant 0 : i32
    %dma_start3A_38 = arith.constant 0 : i32
    %dma_start3A_39 = tpu.memref_slice %arg4[%dma_start3A_37, %dma_start3A_38] : memref<4096x256xf32, #tpu.memory_space<hbm>> -> memref<4096x256xf32, #tpu.memory_space<hbm>>
    tpu.enqueue_indirect_dma source(%dma_start3A_39 : memref<4096x256xf32, #tpu.memory_space<hbm>>) target(%dma_start3A_35 : memref<40x256xf32, #tpu.memory_space<vmem>>) offsets(%dma_start3A_36 : memref<40xi32, #tpu.memory_space<vmem>>) semaphore(%arg9 : memref<!tpu.dma_semaphore, #tpu.memory_space<semaphore_mem>>)
    %add3A_40 = arith.constant 2 : i32
    %add3A_41 = arith.addi %add3A_8, %add3A_40 : i32
    %sub3A_42 = arith.constant 1 : i32
    %sub3A_43 = arith.subi %add3A_41, %sub3A_42 : i32
    %shift_right_arithmetic3A = arith.constant 1 : i32
    %shift_right_arithmetic3A_44 = arith.shrsi %sub3A_43, %shift_right_arithmetic3A : i32
    %while3A = arith.constant 0 : i32
    %while3A_45 = arith.constant 0 : i32
    %while3A_46 = arith.subi %shift_right_arithmetic3A_44, %while3A_45 : i32
    %while3A_47 = arith.addi %while3A_45, %while3A_46 : i32
    %while3A_48 = arith.constant 1 : i32
    %while3A_49 = arith.divsi %while3A_46, %while3A_48 : i32
    %while3A_50 = arith.muli %while3A_49, %while3A_48 : i32
    %while3A_51 = arith.addi %while3A_45, %while3A_50 : i32
    %while3A_52 = arith.constant 1 : i32
    scf.for %while3A_73 = %while3A_45 to %while3A_51 step %while3A_52  : i32 {
      %mul3A_74 = arith.constant 2 : i32
      %mul3A_75 = arith.muli %mul3A_74, %while3A_73 : i32
      %add3A_76 = arith.constant 0 : i32
      %add3A_77 = arith.addi %mul3A_75, %add3A_76 : i32
      %add3A_78 = arith.constant 2 : i32
      %add3A_79 = arith.addi %add3A_77, %add3A_78 : i32
      %sub3A_80 = arith.constant 1 : i32
      %sub3A_81 = arith.subi %add3A_79, %sub3A_80 : i32
      %min3A_82 = arith.minsi %sub3A_81, %sub3A_9 : i32
      %mul3A_83 = arith.constant 40 : i32
      %mul3A_84 = arith.muli %min3A_82, %mul3A_83 : i32
      %add3A_85 = arith.addi %mul3A_84, %sub3A_16 : i32
      %multiple_of3A_86 = tpu.assume_multiple %add3A_85, 8 : i32
      %dma_start3A_87 = arith.constant 1 : i32
      %dma_start3A_88 = arith.constant 0 : i32
      %dma_start3A_89 = arith.constant 0 : i32
      %dma_start3A_90 = tpu.memref_slice %arg8[%dma_start3A_87, %dma_start3A_88, %dma_start3A_89] : memref<2x40x512xf32, #tpu.memory_space<vmem>> -> memref<1x40x256xf32, #tpu.memory_space<vmem>>
      %dma_start3A_91 = tpu.memref_squeeze %dma_start3A_90 : memref<1x40x256xf32, #tpu.memory_space<vmem>> -> memref<40x256xf32, #tpu.memory_space<vmem>>
      %dma_start3A_92 = tpu.memref_slice %arg6[%multiple_of3A_86] : memref<3160xi32, #tpu.memory_space<vmem>> -> memref<40xi32, #tpu.memory_space<vmem>>
      %dma_start3A_93 = arith.constant 0 : i32
      %dma_start3A_94 = arith.constant 0 : i32
      %dma_start3A_95 = tpu.memref_slice %arg4[%dma_start3A_93, %dma_start3A_94] : memref<4096x256xf32, #tpu.memory_space<hbm>> -> memref<4096x256xf32, #tpu.memory_space<hbm>>
      tpu.enqueue_indirect_dma source(%dma_start3A_95 : memref<4096x256xf32, #tpu.memory_space<hbm>>) target(%dma_start3A_91 : memref<40x256xf32, #tpu.memory_space<vmem>>) offsets(%dma_start3A_92 : memref<40xi32, #tpu.memory_space<vmem>>) semaphore(%arg10 : memref<!tpu.dma_semaphore, #tpu.memory_space<semaphore_mem>>)
      %dma_start3A_96 = arith.constant 1 : i32
      %dma_start3A_97 = arith.constant 0 : i32
      %dma_start3A_98 = arith.constant 256 : i32
      %dma_start3A_99 = tpu.memref_slice %arg8[%dma_start3A_96, %dma_start3A_97, %dma_start3A_98] : memref<2x40x512xf32, #tpu.memory_space<vmem>> -> memref<1x40x256xf32, #tpu.memory_space<vmem>>
      %dma_start3A_100 = tpu.memref_squeeze %dma_start3A_99 : memref<1x40x256xf32, #tpu.memory_space<vmem>> -> memref<40x256xf32, #tpu.memory_space<vmem>>
      %dma_start3A_101 = tpu.memref_slice %arg7[%multiple_of3A_86] : memref<3160xi32, #tpu.memory_space<vmem>> -> memref<40xi32, #tpu.memory_space<vmem>>
      %dma_start3A_102 = arith.constant 0 : i32
      %dma_start3A_103 = arith.constant 0 : i32
      %dma_start3A_104 = tpu.memref_slice %arg4[%dma_start3A_102, %dma_start3A_103] : memref<4096x256xf32, #tpu.memory_space<hbm>> -> memref<4096x256xf32, #tpu.memory_space<hbm>>
      tpu.enqueue_indirect_dma source(%dma_start3A_104 : memref<4096x256xf32, #tpu.memory_space<hbm>>) target(%dma_start3A_100 : memref<40x256xf32, #tpu.memory_space<vmem>>) offsets(%dma_start3A_101 : memref<40xi32, #tpu.memory_space<vmem>>) semaphore(%arg10 : memref<!tpu.dma_semaphore, #tpu.memory_space<semaphore_mem>>)
      %dma_wait3A_105 = arith.constant 0 : i32
      %dma_wait3A_106 = arith.constant 0 : i32
      %dma_wait3A_107 = arith.constant 0 : i32
      %dma_wait3A_108 = tpu.memref_slice %arg8[%dma_wait3A_105, %dma_wait3A_106, %dma_wait3A_107] : memref<2x40x512xf32, #tpu.memory_space<vmem>> -> memref<1x40x256xf32, #tpu.memory_space<vmem>>
      %dma_wait3A_109 = tpu.memref_squeeze %dma_wait3A_108 : memref<1x40x256xf32, #tpu.memory_space<vmem>> -> memref<40x256xf32, #tpu.memory_space<vmem>>
      %dma_wait3A_110 = arith.constant 0 : i32
      %dma_wait3A_111 = tpu.memref_slice %arg6[%dma_wait3A_110] : memref<3160xi32, #tpu.memory_space<vmem>> -> memref<40xi32, #tpu.memory_space<vmem>>
      %dma_wait3A_112 = arith.constant 0 : i32
      %dma_wait3A_113 = arith.constant 0 : i32
      %dma_wait3A_114 = tpu.memref_slice %arg4[%dma_wait3A_112, %dma_wait3A_113] : memref<4096x256xf32, #tpu.memory_space<hbm>> -> memref<4096x256xf32, #tpu.memory_space<hbm>>
      tpu.wait_indirect_dma semaphore(%arg9 : memref<!tpu.dma_semaphore, #tpu.memory_space<semaphore_mem>>) src(%dma_wait3A_114 : memref<4096x256xf32, #tpu.memory_space<hbm>>) dst(%dma_wait3A_109 : memref<40x256xf32, #tpu.memory_space<vmem>>)
      %dma_wait3A_115 = arith.constant 0 : i32
      %dma_wait3A_116 = arith.constant 0 : i32
      %dma_wait3A_117 = arith.constant 256 : i32
      %dma_wait3A_118 = tpu.memref_slice %arg8[%dma_wait3A_115, %dma_wait3A_116, %dma_wait3A_117] : memref<2x40x512xf32, #tpu.memory_space<vmem>> -> memref<1x40x256xf32, #tpu.memory_space<vmem>>
      %dma_wait3A_119 = tpu.memref_squeeze %dma_wait3A_118 : memref<1x40x256xf32, #tpu.memory_space<vmem>> -> memref<40x256xf32, #tpu.memory_space<vmem>>
      %dma_wait3A_120 = arith.constant 0 : i32
      %dma_wait3A_121 = tpu.memref_slice %arg7[%dma_wait3A_120] : memref<3160xi32, #tpu.memory_space<vmem>> -> memref<40xi32, #tpu.memory_space<vmem>>
      %dma_wait3A_122 = arith.constant 0 : i32
      %dma_wait3A_123 = arith.constant 0 : i32
      %dma_wait3A_124 = tpu.memref_slice %arg4[%dma_wait3A_122, %dma_wait3A_123] : memref<4096x256xf32, #tpu.memory_space<hbm>> -> memref<4096x256xf32, #tpu.memory_space<hbm>>
      tpu.wait_indirect_dma semaphore(%arg9 : memref<!tpu.dma_semaphore, #tpu.memory_space<semaphore_mem>>) src(%dma_wait3A_124 : memref<4096x256xf32, #tpu.memory_space<hbm>>) dst(%dma_wait3A_119 : memref<40x256xf32, #tpu.memory_space<vmem>>)
      %min3A_125 = arith.minsi %add3A_77, %sub3A_9 : i32
      %add3A_126 = arith.addi %add3A_4, %min3A_125 : i32
      %mul3A_127 = arith.constant 40 : i32
      %mul3A_128 = arith.muli %add3A_126, %mul3A_127 : i32
      %multiple_of3A_129 = tpu.assume_multiple %mul3A_128, 8 : i32
      %run_scoped3A = arith.constant 0 : i32
      "tpu.region"() ({
        %run_scoped3A_187 = tpu.sem_alloc : memref<!tpu.dma_semaphore, #tpu.memory_space<semaphore_mem>>
        %dma_start3A_188 = arith.constant 0 : i32
        %dma_start3A_189 = arith.constant 0 : i32
        %dma_start3A_190 = tpu.memref_slice %arg8[%run_scoped3A, %dma_start3A_188, %dma_start3A_189] : memref<2x40x512xf32, #tpu.memory_space<vmem>> -> memref<1x40x512xf32, #tpu.memory_space<vmem>>
        %dma_start3A_191 = tpu.memref_squeeze %dma_start3A_190 : memref<1x40x512xf32, #tpu.memory_space<vmem>> -> memref<40x512xf32, #tpu.memory_space<vmem>>
        %dma_start3A_192 = arith.constant 0 : i32
        %dma_start3A_193 = tpu.memref_slice %arg5[%multiple_of3A_129, %dma_start3A_192] : memref<100000x512xf32, #tpu.memory_space<hbm>> -> memref<40x512xf32, #tpu.memory_space<hbm>>
        %dma_start3A_194 = arith.constant 0 : i32
        %dma_start3A_195 = tpu.memref_slice %arg5[%multiple_of3A_129, %dma_start3A_194] : memref<100000x512xf32, #tpu.memory_space<hbm>> -> memref<40x512xf32, #tpu.memory_space<hbm>>
        %dma_start3A_196 = arith.constant 0 : i32
        %dma_start3A_197 = arith.constant 0 : i32
        %dma_start3A_198 = tpu.memref_slice %arg8[%run_scoped3A, %dma_start3A_196, %dma_start3A_197] : memref<2x40x512xf32, #tpu.memory_space<vmem>> -> memref<1x40x512xf32, #tpu.memory_space<vmem>>
        %dma_start3A_199 = tpu.memref_squeeze %dma_start3A_198 : memref<1x40x512xf32, #tpu.memory_space<vmem>> -> memref<40x512xf32, #tpu.memory_space<vmem>>
        tpu.enqueue_dma source(%dma_start3A_199 : memref<40x512xf32, #tpu.memory_space<vmem>>) target(%dma_start3A_195 : memref<40x512xf32, #tpu.memory_space<hbm>>) target_semaphore(%run_scoped3A_187 : memref<!tpu.dma_semaphore, #tpu.memory_space<semaphore_mem>>)
        %dma_wait3A_200 = arith.constant 0 : i32
        %dma_wait3A_201 = arith.constant 0 : i32
        %dma_wait3A_202 = tpu.memref_slice %arg8[%run_scoped3A, %dma_wait3A_200, %dma_wait3A_201] : memref<2x40x512xf32, #tpu.memory_space<vmem>> -> memref<1x40x512xf32, #tpu.memory_space<vmem>>
        %dma_wait3A_203 = tpu.memref_squeeze %dma_wait3A_202 : memref<1x40x512xf32, #tpu.memory_space<vmem>> -> memref<40x512xf32, #tpu.memory_space<vmem>>
        %dma_wait3A_204 = arith.constant 0 : i32
        %dma_wait3A_205 = tpu.memref_slice %arg5[%multiple_of3A_129, %dma_wait3A_204] : memref<100000x512xf32, #tpu.memory_space<hbm>> -> memref<40x512xf32, #tpu.memory_space<hbm>>
        %dma_wait3A_206 = arith.constant 0 : i32
        %dma_wait3A_207 = tpu.memref_slice %arg5[%multiple_of3A_129, %dma_wait3A_206] : memref<100000x512xf32, #tpu.memory_space<hbm>> -> memref<40x512xf32, #tpu.memory_space<hbm>>
        %dma_wait3A_208 = arith.constant 0 : i32
        %dma_wait3A_209 = arith.constant 0 : i32
        %dma_wait3A_210 = tpu.memref_slice %arg8[%run_scoped3A, %dma_wait3A_208, %dma_wait3A_209] : memref<2x40x512xf32, #tpu.memory_space<vmem>> -> memref<1x40x512xf32, #tpu.memory_space<vmem>>
        %dma_wait3A_211 = tpu.memref_squeeze %dma_wait3A_210 : memref<1x40x512xf32, #tpu.memory_space<vmem>> -> memref<40x512xf32, #tpu.memory_space<vmem>>
        tpu.wait_dma2 semaphore(%run_scoped3A_187 : memref<!tpu.dma_semaphore, #tpu.memory_space<semaphore_mem>>) src(%dma_wait3A_211 : memref<40x512xf32, #tpu.memory_space<vmem>>) dst(%dma_wait3A_207 : memref<40x512xf32, #tpu.memory_space<hbm>>)
        tpu.yield
      }) : () -> ()
      %mul3A_130 = arith.constant 2 : i32
      %mul3A_131 = arith.muli %mul3A_130, %while3A_73 : i32
      %add3A_132 = arith.constant 1 : i32
      %add3A_133 = arith.addi %mul3A_131, %add3A_132 : i32
      %add3A_134 = arith.constant 2 : i32
      %add3A_135 = arith.addi %add3A_133, %add3A_134 : i32
      %sub3A_136 = arith.constant 1 : i32
      %sub3A_137 = arith.subi %add3A_135, %sub3A_136 : i32
      %min3A_138 = arith.minsi %sub3A_137, %sub3A_9 : i32
      %mul3A_139 = arith.constant 40 : i32
      %mul3A_140 = arith.muli %min3A_138, %mul3A_139 : i32
      %add3A_141 = arith.addi %mul3A_140, %sub3A_16 : i32
      %multiple_of3A_142 = tpu.assume_multiple %add3A_141, 8 : i32
      %dma_start3A_143 = arith.constant 0 : i32
      %dma_start3A_144 = arith.constant 0 : i32
      %dma_start3A_145 = arith.constant 0 : i32
      %dma_start3A_146 = tpu.memref_slice %arg8[%dma_start3A_143, %dma_start3A_144, %dma_start3A_145] : memref<2x40x512xf32, #tpu.memory_space<vmem>> -> memref<1x40x256xf32, #tpu.memory_space<vmem>>
      %dma_start3A_147 = tpu.memref_squeeze %dma_start3A_146 : memref<1x40x256xf32, #tpu.memory_space<vmem>> -> memref<40x256xf32, #tpu.memory_space<vmem>>
      %dma_start3A_148 = tpu.memref_slice %arg6[%multiple_of3A_142] : memref<3160xi32, #tpu.memory_space<vmem>> -> memref<40xi32, #tpu.memory_space<vmem>>
      %dma_start3A_149 = arith.constant 0 : i32
      %dma_start3A_150 = arith.constant 0 : i32
      %dma_start3A_151 = tpu.memref_slice %arg4[%dma_start3A_149, %dma_start3A_150] : memref<4096x256xf32, #tpu.memory_space<hbm>> -> memref<4096x256xf32, #tpu.memory_space<hbm>>
      tpu.enqueue_indirect_dma source(%dma_start3A_151 : memref<4096x256xf32, #tpu.memory_space<hbm>>) target(%dma_start3A_147 : memref<40x256xf32, #tpu.memory_space<vmem>>) offsets(%dma_start3A_148 : memref<40xi32, #tpu.memory_space<vmem>>) semaphore(%arg9 : memref<!tpu.dma_semaphore, #tpu.memory_space<semaphore_mem>>)
      %dma_start3A_152 = arith.constant 0 : i32
      %dma_start3A_153 = arith.constant 0 : i32
      %dma_start3A_154 = arith.constant 256 : i32
      %dma_start3A_155 = tpu.memref_slice %arg8[%dma_start3A_152, %dma_start3A_153, %dma_start3A_154] : memref<2x40x512xf32, #tpu.memory_space<vmem>> -> memref<1x40x256xf32, #tpu.memory_space<vmem>>
      %dma_start3A_156 = tpu.memref_squeeze %dma_start3A_155 : memref<1x40x256xf32, #tpu.memory_space<vmem>> -> memref<40x256xf32, #tpu.memory_space<vmem>>
      %dma_start3A_157 = tpu.memref_slice %arg7[%multiple_of3A_142] : memref<3160xi32, #tpu.memory_space<vmem>> -> memref<40xi32, #tpu.memory_space<vmem>>
      %dma_start3A_158 = arith.constant 0 : i32
      %dma_start3A_159 = arith.constant 0 : i32
      %dma_start3A_160 = tpu.memref_slice %arg4[%dma_start3A_158, %dma_start3A_159] : memref<4096x256xf32, #tpu.memory_space<hbm>> -> memref<4096x256xf32, #tpu.memory_space<hbm>>
      tpu.enqueue_indirect_dma source(%dma_start3A_160 : memref<4096x256xf32, #tpu.memory_space<hbm>>) target(%dma_start3A_156 : memref<40x256xf32, #tpu.memory_space<vmem>>) offsets(%dma_start3A_157 : memref<40xi32, #tpu.memory_space<vmem>>) semaphore(%arg9 : memref<!tpu.dma_semaphore, #tpu.memory_space<semaphore_mem>>)
      %dma_wait3A_161 = arith.constant 1 : i32
      %dma_wait3A_162 = arith.constant 0 : i32
      %dma_wait3A_163 = arith.constant 0 : i32
      %dma_wait3A_164 = tpu.memref_slice %arg8[%dma_wait3A_161, %dma_wait3A_162, %dma_wait3A_163] : memref<2x40x512xf32, #tpu.memory_space<vmem>> -> memref<1x40x256xf32, #tpu.memory_space<vmem>>
      %dma_wait3A_165 = tpu.memref_squeeze %dma_wait3A_164 : memref<1x40x256xf32, #tpu.memory_space<vmem>> -> memref<40x256xf32, #tpu.memory_space<vmem>>
      %dma_wait3A_166 = arith.constant 0 : i32
      %dma_wait3A_167 = tpu.memref_slice %arg6[%dma_wait3A_166] : memref<3160xi32, #tpu.memory_space<vmem>> -> memref<40xi32, #tpu.memory_space<vmem>>
      %dma_wait3A_168 = arith.constant 0 : i32
      %dma_wait3A_169 = arith.constant 0 : i32
      %dma_wait3A_170 = tpu.memref_slice %arg4[%dma_wait3A_168, %dma_wait3A_169] : memref<4096x256xf32, #tpu.memory_space<hbm>> -> memref<4096x256xf32, #tpu.memory_space<hbm>>
      tpu.wait_indirect_dma semaphore(%arg10 : memref<!tpu.dma_semaphore, #tpu.memory_space<semaphore_mem>>) src(%dma_wait3A_170 : memref<4096x256xf32, #tpu.memory_space<hbm>>) dst(%dma_wait3A_165 : memref<40x256xf32, #tpu.memory_space<vmem>>)
      %dma_wait3A_171 = arith.constant 1 : i32
      %dma_wait3A_172 = arith.constant 0 : i32
      %dma_wait3A_173 = arith.constant 256 : i32
      %dma_wait3A_174 = tpu.memref_slice %arg8[%dma_wait3A_171, %dma_wait3A_172, %dma_wait3A_173] : memref<2x40x512xf32, #tpu.memory_space<vmem>> -> memref<1x40x256xf32, #tpu.memory_space<vmem>>
      %dma_wait3A_175 = tpu.memref_squeeze %dma_wait3A_174 : memref<1x40x256xf32, #tpu.memory_space<vmem>> -> memref<40x256xf32, #tpu.memory_space<vmem>>
      %dma_wait3A_176 = arith.constant 0 : i32
      %dma_wait3A_177 = tpu.memref_slice %arg7[%dma_wait3A_176] : memref<3160xi32, #tpu.memory_space<vmem>> -> memref<40xi32, #tpu.memory_space<vmem>>
      %dma_wait3A_178 = arith.constant 0 : i32
      %dma_wait3A_179 = arith.constant 0 : i32
      %dma_wait3A_180 = tpu.memref_slice %arg4[%dma_wait3A_178, %dma_wait3A_179] : memref<4096x256xf32, #tpu.memory_space<hbm>> -> memref<4096x256xf32, #tpu.memory_space<hbm>>
      tpu.wait_indirect_dma semaphore(%arg10 : memref<!tpu.dma_semaphore, #tpu.memory_space<semaphore_mem>>) src(%dma_wait3A_180 : memref<4096x256xf32, #tpu.memory_space<hbm>>) dst(%dma_wait3A_175 : memref<40x256xf32, #tpu.memory_space<vmem>>)
      %min3A_181 = arith.minsi %add3A_133, %sub3A_9 : i32
      %add3A_182 = arith.addi %add3A_4, %min3A_181 : i32
      %mul3A_183 = arith.constant 40 : i32
      %mul3A_184 = arith.muli %add3A_182, %mul3A_183 : i32
      %multiple_of3A_185 = tpu.assume_multiple %mul3A_184, 8 : i32
      %run_scoped3A_186 = arith.constant 1 : i32
      "tpu.region"() ({
        %run_scoped3A_187 = tpu.sem_alloc : memref<!tpu.dma_semaphore, #tpu.memory_space<semaphore_mem>>
        %dma_start3A_188 = arith.constant 0 : i32
        %dma_start3A_189 = arith.constant 0 : i32
        %dma_start3A_190 = tpu.memref_slice %arg8[%run_scoped3A_186, %dma_start3A_188, %dma_start3A_189] : memref<2x40x512xf32, #tpu.memory_space<vmem>> -> memref<1x40x512xf32, #tpu.memory_space<vmem>>
        %dma_start3A_191 = tpu.memref_squeeze %dma_start3A_190 : memref<1x40x512xf32, #tpu.memory_space<vmem>> -> memref<40x512xf32, #tpu.memory_space<vmem>>
        %dma_start3A_192 = arith.constant 0 : i32
        %dma_start3A_193 = tpu.memref_slice %arg5[%multiple_of3A_185, %dma_start3A_192] : memref<100000x512xf32, #tpu.memory_space<hbm>> -> memref<40x512xf32, #tpu.memory_space<hbm>>
        %dma_start3A_194 = arith.constant 0 : i32
        %dma_start3A_195 = tpu.memref_slice %arg5[%multiple_of3A_185, %dma_start3A_194] : memref<100000x512xf32, #tpu.memory_space<hbm>> -> memref<40x512xf32, #tpu.memory_space<hbm>>
        %dma_start3A_196 = arith.constant 0 : i32
        %dma_start3A_197 = arith.constant 0 : i32
        %dma_start3A_198 = tpu.memref_slice %arg8[%run_scoped3A_186, %dma_start3A_196, %dma_start3A_197] : memref<2x40x512xf32, #tpu.memory_space<vmem>> -> memref<1x40x512xf32, #tpu.memory_space<vmem>>
        %dma_start3A_199 = tpu.memref_squeeze %dma_start3A_198 : memref<1x40x512xf32, #tpu.memory_space<vmem>> -> memref<40x512xf32, #tpu.memory_space<vmem>>
        tpu.enqueue_dma source(%dma_start3A_199 : memref<40x512xf32, #tpu.memory_space<vmem>>) target(%dma_start3A_195 : memref<40x512xf32, #tpu.memory_space<hbm>>) target_semaphore(%run_scoped3A_187 : memref<!tpu.dma_semaphore, #tpu.memory_space<semaphore_mem>>)
        %dma_wait3A_200 = arith.constant 0 : i32
        %dma_wait3A_201 = arith.constant 0 : i32
        %dma_wait3A_202 = tpu.memref_slice %arg8[%run_scoped3A_186, %dma_wait3A_200, %dma_wait3A_201] : memref<2x40x512xf32, #tpu.memory_space<vmem>> -> memref<1x40x512xf32, #tpu.memory_space<vmem>>
        %dma_wait3A_203 = tpu.memref_squeeze %dma_wait3A_202 : memref<1x40x512xf32, #tpu.memory_space<vmem>> -> memref<40x512xf32, #tpu.memory_space<vmem>>
        %dma_wait3A_204 = arith.constant 0 : i32
        %dma_wait3A_205 = tpu.memref_slice %arg5[%multiple_of3A_185, %dma_wait3A_204] : memref<100000x512xf32, #tpu.memory_space<hbm>> -> memref<40x512xf32, #tpu.memory_space<hbm>>
        %dma_wait3A_206 = arith.constant 0 : i32
        %dma_wait3A_207 = tpu.memref_slice %arg5[%multiple_of3A_185, %dma_wait3A_206] : memref<100000x512xf32, #tpu.memory_space<hbm>> -> memref<40x512xf32, #tpu.memory_space<hbm>>
        %dma_wait3A_208 = arith.constant 0 : i32
        %dma_wait3A_209 = arith.constant 0 : i32
        %dma_wait3A_210 = tpu.memref_slice %arg8[%run_scoped3A_186, %dma_wait3A_208, %dma_wait3A_209] : memref<2x40x512xf32, #tpu.memory_space<vmem>> -> memref<1x40x512xf32, #tpu.memory_space<vmem>>
        %dma_wait3A_211 = tpu.memref_squeeze %dma_wait3A_210 : memref<1x40x512xf32, #tpu.memory_space<vmem>> -> memref<40x512xf32, #tpu.memory_space<vmem>>
        tpu.wait_dma2 semaphore(%run_scoped3A_187 : memref<!tpu.dma_semaphore, #tpu.memory_space<semaphore_mem>>) src(%dma_wait3A_211 : memref<40x512xf32, #tpu.memory_space<vmem>>) dst(%dma_wait3A_207 : memref<40x512xf32, #tpu.memory_space<hbm>>)
        tpu.yield
      }) : () -> ()
    }
    %while3A_53 = arith.constant 1 : i32
    scf.for %while3A_73 = %while3A_51 to %while3A_47 step %while3A_53  : i32 {
      %mul3A_74 = arith.constant 2 : i32
      %mul3A_75 = arith.muli %mul3A_74, %while3A_73 : i32
      %add3A_76 = arith.constant 0 : i32
      %add3A_77 = arith.addi %mul3A_75, %add3A_76 : i32
      %add3A_78 = arith.constant 2 : i32
      %add3A_79 = arith.addi %add3A_77, %add3A_78 : i32
      %sub3A_80 = arith.constant 1 : i32
      %sub3A_81 = arith.subi %add3A_79, %sub3A_80 : i32
      %min3A_82 = arith.minsi %sub3A_81, %sub3A_9 : i32
      %mul3A_83 = arith.constant 40 : i32
      %mul3A_84 = arith.muli %min3A_82, %mul3A_83 : i32
      %add3A_85 = arith.addi %mul3A_84, %sub3A_16 : i32
      %multiple_of3A_86 = tpu.assume_multiple %add3A_85, 8 : i32
      %dma_start3A_87 = arith.constant 1 : i32
      %dma_start3A_88 = arith.constant 0 : i32
      %dma_start3A_89 = arith.constant 0 : i32
      %dma_start3A_90 = tpu.memref_slice %arg8[%dma_start3A_87, %dma_start3A_88, %dma_start3A_89] : memref<2x40x512xf32, #tpu.memory_space<vmem>> -> memref<1x40x256xf32, #tpu.memory_space<vmem>>
      %dma_start3A_91 = tpu.memref_squeeze %dma_start3A_90 : memref<1x40x256xf32, #tpu.memory_space<vmem>> -> memref<40x256xf32, #tpu.memory_space<vmem>>
      %dma_start3A_92 = tpu.memref_slice %arg6[%multiple_of3A_86] : memref<3160xi32, #tpu.memory_space<vmem>> -> memref<40xi32, #tpu.memory_space<vmem>>
      %dma_start3A_93 = arith.constant 0 : i32
      %dma_start3A_94 = arith.constant 0 : i32
      %dma_start3A_95 = tpu.memref_slice %arg4[%dma_start3A_93, %dma_start3A_94] : memref<4096x256xf32, #tpu.memory_space<hbm>> -> memref<4096x256xf32, #tpu.memory_space<hbm>>
      tpu.enqueue_indirect_dma source(%dma_start3A_95 : memref<4096x256xf32, #tpu.memory_space<hbm>>) target(%dma_start3A_91 : memref<40x256xf32, #tpu.memory_space<vmem>>) offsets(%dma_start3A_92 : memref<40xi32, #tpu.memory_space<vmem>>) semaphore(%arg10 : memref<!tpu.dma_semaphore, #tpu.memory_space<semaphore_mem>>)
      %dma_start3A_96 = arith.constant 1 : i32
      %dma_start3A_97 = arith.constant 0 : i32
      %dma_start3A_98 = arith.constant 256 : i32
      %dma_start3A_99 = tpu.memref_slice %arg8[%dma_start3A_96, %dma_start3A_97, %dma_start3A_98] : memref<2x40x512xf32, #tpu.memory_space<vmem>> -> memref<1x40x256xf32, #tpu.memory_space<vmem>>
      %dma_start3A_100 = tpu.memref_squeeze %dma_start3A_99 : memref<1x40x256xf32, #tpu.memory_space<vmem>> -> memref<40x256xf32, #tpu.memory_space<vmem>>
      %dma_start3A_101 = tpu.memref_slice %arg7[%multiple_of3A_86] : memref<3160xi32, #tpu.memory_space<vmem>> -> memref<40xi32, #tpu.memory_space<vmem>>
      %dma_start3A_102 = arith.constant 0 : i32
      %dma_start3A_103 = arith.constant 0 : i32
      %dma_start3A_104 = tpu.memref_slice %arg4[%dma_start3A_102, %dma_start3A_103] : memref<4096x256xf32, #tpu.memory_space<hbm>> -> memref<4096x256xf32, #tpu.memory_space<hbm>>
      tpu.enqueue_indirect_dma source(%dma_start3A_104 : memref<4096x256xf32, #tpu.memory_space<hbm>>) target(%dma_start3A_100 : memref<40x256xf32, #tpu.memory_space<vmem>>) offsets(%dma_start3A_101 : memref<40xi32, #tpu.memory_space<vmem>>) semaphore(%arg10 : memref<!tpu.dma_semaphore, #tpu.memory_space<semaphore_mem>>)
      %dma_wait3A_105 = arith.constant 0 : i32
      %dma_wait3A_106 = arith.constant 0 : i32
      %dma_wait3A_107 = arith.constant 0 : i32
      %dma_wait3A_108 = tpu.memref_slice %arg8[%dma_wait3A_105, %dma_wait3A_106, %dma_wait3A_107] : memref<2x40x512xf32, #tpu.memory_space<vmem>> -> memref<1x40x256xf32, #tpu.memory_space<vmem>>
      %dma_wait3A_109 = tpu.memref_squeeze %dma_wait3A_108 : memref<1x40x256xf32, #tpu.memory_space<vmem>> -> memref<40x256xf32, #tpu.memory_space<vmem>>
      %dma_wait3A_110 = arith.constant 0 : i32
      %dma_wait3A_111 = tpu.memref_slice %arg6[%dma_wait3A_110] : memref<3160xi32, #tpu.memory_space<vmem>> -> memref<40xi32, #tpu.memory_space<vmem>>
      %dma_wait3A_112 = arith.constant 0 : i32
      %dma_wait3A_113 = arith.constant 0 : i32
      %dma_wait3A_114 = tpu.memref_slice %arg4[%dma_wait3A_112, %dma_wait3A_113] : memref<4096x256xf32, #tpu.memory_space<hbm>> -> memref<4096x256xf32, #tpu.memory_space<hbm>>
      tpu.wait_indirect_dma semaphore(%arg9 : memref<!tpu.dma_semaphore, #tpu.memory_space<semaphore_mem>>) src(%dma_wait3A_114 : memref<4096x256xf32, #tpu.memory_space<hbm>>) dst(%dma_wait3A_109 : memref<40x256xf32, #tpu.memory_space<vmem>>)
      %dma_wait3A_115 = arith.constant 0 : i32
      %dma_wait3A_116 = arith.constant 0 : i32
      %dma_wait3A_117 = arith.constant 256 : i32
      %dma_wait3A_118 = tpu.memref_slice %arg8[%dma_wait3A_115, %dma_wait3A_116, %dma_wait3A_117] : memref<2x40x512xf32, #tpu.memory_space<vmem>> -> memref<1x40x256xf32, #tpu.memory_space<vmem>>
      %dma_wait3A_119 = tpu.memref_squeeze %dma_wait3A_118 : memref<1x40x256xf32, #tpu.memory_space<vmem>> -> memref<40x256xf32, #tpu.memory_space<vmem>>
      %dma_wait3A_120 = arith.constant 0 : i32
      %dma_wait3A_121 = tpu.memref_slice %arg7[%dma_wait3A_120] : memref<3160xi32, #tpu.memory_space<vmem>> -> memref<40xi32, #tpu.memory_space<vmem>>
      %dma_wait3A_122 = arith.constant 0 : i32
      %dma_wait3A_123 = arith.constant 0 : i32
      %dma_wait3A_124 = tpu.memref_slice %arg4[%dma_wait3A_122, %dma_wait3A_123] : memref<4096x256xf32, #tpu.memory_space<hbm>> -> memref<4096x256xf32, #tpu.memory_space<hbm>>
      tpu.wait_indirect_dma semaphore(%arg9 : memref<!tpu.dma_semaphore, #tpu.memory_space<semaphore_mem>>) src(%dma_wait3A_124 : memref<4096x256xf32, #tpu.memory_space<hbm>>) dst(%dma_wait3A_119 : memref<40x256xf32, #tpu.memory_space<vmem>>)
      %min3A_125 = arith.minsi %add3A_77, %sub3A_9 : i32
      %add3A_126 = arith.addi %add3A_4, %min3A_125 : i32
      %mul3A_127 = arith.constant 40 : i32
      %mul3A_128 = arith.muli %add3A_126, %mul3A_127 : i32
      %multiple_of3A_129 = tpu.assume_multiple %mul3A_128, 8 : i32
      %run_scoped3A = arith.constant 0 : i32
      "tpu.region"() ({
        %run_scoped3A_187 = tpu.sem_alloc : memref<!tpu.dma_semaphore, #tpu.memory_space<semaphore_mem>>
        %dma_start3A_188 = arith.constant 0 : i32
        %dma_start3A_189 = arith.constant 0 : i32
        %dma_start3A_190 = tpu.memref_slice %arg8[%run_scoped3A, %dma_start3A_188, %dma_start3A_189] : memref<2x40x512xf32, #tpu.memory_space<vmem>> -> memref<1x40x512xf32, #tpu.memory_space<vmem>>
        %dma_start3A_191 = tpu.memref_squeeze %dma_start3A_190 : memref<1x40x512xf32, #tpu.memory_space<vmem>> -> memref<40x512xf32, #tpu.memory_space<vmem>>
        %dma_start3A_192 = arith.constant 0 : i32
        %dma_start3A_193 = tpu.memref_slice %arg5[%multiple_of3A_129, %dma_start3A_192] : memref<100000x512xf32, #tpu.memory_space<hbm>> -> memref<40x512xf32, #tpu.memory_space<hbm>>
        %dma_start3A_194 = arith.constant 0 : i32
        %dma_start3A_195 = tpu.memref_slice %arg5[%multiple_of3A_129, %dma_start3A_194] : memref<100000x512xf32, #tpu.memory_space<hbm>> -> memref<40x512xf32, #tpu.memory_space<hbm>>
        %dma_start3A_196 = arith.constant 0 : i32
        %dma_start3A_197 = arith.constant 0 : i32
        %dma_start3A_198 = tpu.memref_slice %arg8[%run_scoped3A, %dma_start3A_196, %dma_start3A_197] : memref<2x40x512xf32, #tpu.memory_space<vmem>> -> memref<1x40x512xf32, #tpu.memory_space<vmem>>
        %dma_start3A_199 = tpu.memref_squeeze %dma_start3A_198 : memref<1x40x512xf32, #tpu.memory_space<vmem>> -> memref<40x512xf32, #tpu.memory_space<vmem>>
        tpu.enqueue_dma source(%dma_start3A_199 : memref<40x512xf32, #tpu.memory_space<vmem>>) target(%dma_start3A_195 : memref<40x512xf32, #tpu.memory_space<hbm>>) target_semaphore(%run_scoped3A_187 : memref<!tpu.dma_semaphore, #tpu.memory_space<semaphore_mem>>)
        %dma_wait3A_200 = arith.constant 0 : i32
        %dma_wait3A_201 = arith.constant 0 : i32
        %dma_wait3A_202 = tpu.memref_slice %arg8[%run_scoped3A, %dma_wait3A_200, %dma_wait3A_201] : memref<2x40x512xf32, #tpu.memory_space<vmem>> -> memref<1x40x512xf32, #tpu.memory_space<vmem>>
        %dma_wait3A_203 = tpu.memref_squeeze %dma_wait3A_202 : memref<1x40x512xf32, #tpu.memory_space<vmem>> -> memref<40x512xf32, #tpu.memory_space<vmem>>
        %dma_wait3A_204 = arith.constant 0 : i32
        %dma_wait3A_205 = tpu.memref_slice %arg5[%multiple_of3A_129, %dma_wait3A_204] : memref<100000x512xf32, #tpu.memory_space<hbm>> -> memref<40x512xf32, #tpu.memory_space<hbm>>
        %dma_wait3A_206 = arith.constant 0 : i32
        %dma_wait3A_207 = tpu.memref_slice %arg5[%multiple_of3A_129, %dma_wait3A_206] : memref<100000x512xf32, #tpu.memory_space<hbm>> -> memref<40x512xf32, #tpu.memory_space<hbm>>
        %dma_wait3A_208 = arith.constant 0 : i32
        %dma_wait3A_209 = arith.constant 0 : i32
        %dma_wait3A_210 = tpu.memref_slice %arg8[%run_scoped3A, %dma_wait3A_208, %dma_wait3A_209] : memref<2x40x512xf32, #tpu.memory_space<vmem>> -> memref<1x40x512xf32, #tpu.memory_space<vmem>>
        %dma_wait3A_211 = tpu.memref_squeeze %dma_wait3A_210 : memref<1x40x512xf32, #tpu.memory_space<vmem>> -> memref<40x512xf32, #tpu.memory_space<vmem>>
        tpu.wait_dma2 semaphore(%run_scoped3A_187 : memref<!tpu.dma_semaphore, #tpu.memory_space<semaphore_mem>>) src(%dma_wait3A_211 : memref<40x512xf32, #tpu.memory_space<vmem>>) dst(%dma_wait3A_207 : memref<40x512xf32, #tpu.memory_space<hbm>>)
        tpu.yield
      }) : () -> ()
      %mul3A_130 = arith.constant 2 : i32
      %mul3A_131 = arith.muli %mul3A_130, %while3A_73 : i32
      %add3A_132 = arith.constant 1 : i32
      %add3A_133 = arith.addi %mul3A_131, %add3A_132 : i32
      %add3A_134 = arith.constant 2 : i32
      %add3A_135 = arith.addi %add3A_133, %add3A_134 : i32
      %sub3A_136 = arith.constant 1 : i32
      %sub3A_137 = arith.subi %add3A_135, %sub3A_136 : i32
      %min3A_138 = arith.minsi %sub3A_137, %sub3A_9 : i32
      %mul3A_139 = arith.constant 40 : i32
      %mul3A_140 = arith.muli %min3A_138, %mul3A_139 : i32
      %add3A_141 = arith.addi %mul3A_140, %sub3A_16 : i32
      %multiple_of3A_142 = tpu.assume_multiple %add3A_141, 8 : i32
      %dma_start3A_143 = arith.constant 0 : i32
      %dma_start3A_144 = arith.constant 0 : i32
      %dma_start3A_145 = arith.constant 0 : i32
      %dma_start3A_146 = tpu.memref_slice %arg8[%dma_start3A_143, %dma_start3A_144, %dma_start3A_145] : memref<2x40x512xf32, #tpu.memory_space<vmem>> -> memref<1x40x256xf32, #tpu.memory_space<vmem>>
      %dma_start3A_147 = tpu.memref_squeeze %dma_start3A_146 : memref<1x40x256xf32, #tpu.memory_space<vmem>> -> memref<40x256xf32, #tpu.memory_space<vmem>>
      %dma_start3A_148 = tpu.memref_slice %arg6[%multiple_of3A_142] : memref<3160xi32, #tpu.memory_space<vmem>> -> memref<40xi32, #tpu.memory_space<vmem>>
      %dma_start3A_149 = arith.constant 0 : i32
      %dma_start3A_150 = arith.constant 0 : i32
      %dma_start3A_151 = tpu.memref_slice %arg4[%dma_start3A_149, %dma_start3A_150] : memref<4096x256xf32, #tpu.memory_space<hbm>> -> memref<4096x256xf32, #tpu.memory_space<hbm>>
      tpu.enqueue_indirect_dma source(%dma_start3A_151 : memref<4096x256xf32, #tpu.memory_space<hbm>>) target(%dma_start3A_147 : memref<40x256xf32, #tpu.memory_space<vmem>>) offsets(%dma_start3A_148 : memref<40xi32, #tpu.memory_space<vmem>>) semaphore(%arg9 : memref<!tpu.dma_semaphore, #tpu.memory_space<semaphore_mem>>)
      %dma_start3A_152 = arith.constant 0 : i32
      %dma_start3A_153 = arith.constant 0 : i32
      %dma_start3A_154 = arith.constant 256 : i32
      %dma_start3A_155 = tpu.memref_slice %arg8[%dma_start3A_152, %dma_start3A_153, %dma_start3A_154] : memref<2x40x512xf32, #tpu.memory_space<vmem>> -> memref<1x40x256xf32, #tpu.memory_space<vmem>>
      %dma_start3A_156 = tpu.memref_squeeze %dma_start3A_155 : memref<1x40x256xf32, #tpu.memory_space<vmem>> -> memref<40x256xf32, #tpu.memory_space<vmem>>
      %dma_start3A_157 = tpu.memref_slice %arg7[%multiple_of3A_142] : memref<3160xi32, #tpu.memory_space<vmem>> -> memref<40xi32, #tpu.memory_space<vmem>>
      %dma_start3A_158 = arith.constant 0 : i32
      %dma_start3A_159 = arith.constant 0 : i32
      %dma_start3A_160 = tpu.memref_slice %arg4[%dma_start3A_158, %dma_start3A_159] : memref<4096x256xf32, #tpu.memory_space<hbm>> -> memref<4096x256xf32, #tpu.memory_space<hbm>>
      tpu.enqueue_indirect_dma source(%dma_start3A_160 : memref<4096x256xf32, #tpu.memory_space<hbm>>) target(%dma_start3A_156 : memref<40x256xf32, #tpu.memory_space<vmem>>) offsets(%dma_start3A_157 : memref<40xi32, #tpu.memory_space<vmem>>) semaphore(%arg9 : memref<!tpu.dma_semaphore, #tpu.memory_space<semaphore_mem>>)
      %dma_wait3A_161 = arith.constant 1 : i32
      %dma_wait3A_162 = arith.constant 0 : i32
      %dma_wait3A_163 = arith.constant 0 : i32
      %dma_wait3A_164 = tpu.memref_slice %arg8[%dma_wait3A_161, %dma_wait3A_162, %dma_wait3A_163] : memref<2x40x512xf32, #tpu.memory_space<vmem>> -> memref<1x40x256xf32, #tpu.memory_space<vmem>>
      %dma_wait3A_165 = tpu.memref_squeeze %dma_wait3A_164 : memref<1x40x256xf32, #tpu.memory_space<vmem>> -> memref<40x256xf32, #tpu.memory_space<vmem>>
      %dma_wait3A_166 = arith.constant 0 : i32
      %dma_wait3A_167 = tpu.memref_slice %arg6[%dma_wait3A_166] : memref<3160xi32, #tpu.memory_space<vmem>> -> memref<40xi32, #tpu.memory_space<vmem>>
      %dma_wait3A_168 = arith.constant 0 : i32
      %dma_wait3A_169 = arith.constant 0 : i32
      %dma_wait3A_170 = tpu.memref_slice %arg4[%dma_wait3A_168, %dma_wait3A_169] : memref<4096x256xf32, #tpu.memory_space<hbm>> -> memref<4096x256xf32, #tpu.memory_space<hbm>>
      tpu.wait_indirect_dma semaphore(%arg10 : memref<!tpu.dma_semaphore, #tpu.memory_space<semaphore_mem>>) src(%dma_wait3A_170 : memref<4096x256xf32, #tpu.memory_space<hbm>>) dst(%dma_wait3A_165 : memref<40x256xf32, #tpu.memory_space<vmem>>)
      %dma_wait3A_171 = arith.constant 1 : i32
      %dma_wait3A_172 = arith.constant 0 : i32
      %dma_wait3A_173 = arith.constant 256 : i32
      %dma_wait3A_174 = tpu.memref_slice %arg8[%dma_wait3A_171, %dma_wait3A_172, %dma_wait3A_173] : memref<2x40x512xf32, #tpu.memory_space<vmem>> -> memref<1x40x256xf32, #tpu.memory_space<vmem>>
      %dma_wait3A_175 = tpu.memref_squeeze %dma_wait3A_174 : memref<1x40x256xf32, #tpu.memory_space<vmem>> -> memref<40x256xf32, #tpu.memory_space<vmem>>
      %dma_wait3A_176 = arith.constant 0 : i32
      %dma_wait3A_177 = tpu.memref_slice %arg7[%dma_wait3A_176] : memref<3160xi32, #tpu.memory_space<vmem>> -> memref<40xi32, #tpu.memory_space<vmem>>
      %dma_wait3A_178 = arith.constant 0 : i32
      %dma_wait3A_179 = arith.constant 0 : i32
      %dma_wait3A_180 = tpu.memref_slice %arg4[%dma_wait3A_178, %dma_wait3A_179] : memref<4096x256xf32, #tpu.memory_space<hbm>> -> memref<4096x256xf32, #tpu.memory_space<hbm>>
      tpu.wait_indirect_dma semaphore(%arg10 : memref<!tpu.dma_semaphore, #tpu.memory_space<semaphore_mem>>) src(%dma_wait3A_180 : memref<4096x256xf32, #tpu.memory_space<hbm>>) dst(%dma_wait3A_175 : memref<40x256xf32, #tpu.memory_space<vmem>>)
      %min3A_181 = arith.minsi %add3A_133, %sub3A_9 : i32
      %add3A_182 = arith.addi %add3A_4, %min3A_181 : i32
      %mul3A_183 = arith.constant 40 : i32
      %mul3A_184 = arith.muli %add3A_182, %mul3A_183 : i32
      %multiple_of3A_185 = tpu.assume_multiple %mul3A_184, 8 : i32
      %run_scoped3A_186 = arith.constant 1 : i32
      "tpu.region"() ({
        %run_scoped3A_187 = tpu.sem_alloc : memref<!tpu.dma_semaphore, #tpu.memory_space<semaphore_mem>>
        %dma_start3A_188 = arith.constant 0 : i32
        %dma_start3A_189 = arith.constant 0 : i32
        %dma_start3A_190 = tpu.memref_slice %arg8[%run_scoped3A_186, %dma_start3A_188, %dma_start3A_189] : memref<2x40x512xf32, #tpu.memory_space<vmem>> -> memref<1x40x512xf32, #tpu.memory_space<vmem>>
        %dma_start3A_191 = tpu.memref_squeeze %dma_start3A_190 : memref<1x40x512xf32, #tpu.memory_space<vmem>> -> memref<40x512xf32, #tpu.memory_space<vmem>>
        %dma_start3A_192 = arith.constant 0 : i32
        %dma_start3A_193 = tpu.memref_slice %arg5[%multiple_of3A_185, %dma_start3A_192] : memref<100000x512xf32, #tpu.memory_space<hbm>> -> memref<40x512xf32, #tpu.memory_space<hbm>>
        %dma_start3A_194 = arith.constant 0 : i32
        %dma_start3A_195 = tpu.memref_slice %arg5[%multiple_of3A_185, %dma_start3A_194] : memref<100000x512xf32, #tpu.memory_space<hbm>> -> memref<40x512xf32, #tpu.memory_space<hbm>>
        %dma_start3A_196 = arith.constant 0 : i32
        %dma_start3A_197 = arith.constant 0 : i32
        %dma_start3A_198 = tpu.memref_slice %arg8[%run_scoped3A_186, %dma_start3A_196, %dma_start3A_197] : memref<2x40x512xf32, #tpu.memory_space<vmem>> -> memref<1x40x512xf32, #tpu.memory_space<vmem>>
        %dma_start3A_199 = tpu.memref_squeeze %dma_start3A_198 : memref<1x40x512xf32, #tpu.memory_space<vmem>> -> memref<40x512xf32, #tpu.memory_space<vmem>>
        tpu.enqueue_dma source(%dma_start3A_199 : memref<40x512xf32, #tpu.memory_space<vmem>>) target(%dma_start3A_195 : memref<40x512xf32, #tpu.memory_space<hbm>>) target_semaphore(%run_scoped3A_187 : memref<!tpu.dma_semaphore, #tpu.memory_space<semaphore_mem>>)
        %dma_wait3A_200 = arith.constant 0 : i32
        %dma_wait3A_201 = arith.constant 0 : i32
        %dma_wait3A_202 = tpu.memref_slice %arg8[%run_scoped3A_186, %dma_wait3A_200, %dma_wait3A_201] : memref<2x40x512xf32, #tpu.memory_space<vmem>> -> memref<1x40x512xf32, #tpu.memory_space<vmem>>
        %dma_wait3A_203 = tpu.memref_squeeze %dma_wait3A_202 : memref<1x40x512xf32, #tpu.memory_space<vmem>> -> memref<40x512xf32, #tpu.memory_space<vmem>>
        %dma_wait3A_204 = arith.constant 0 : i32
        %dma_wait3A_205 = tpu.memref_slice %arg5[%multiple_of3A_185, %dma_wait3A_204] : memref<100000x512xf32, #tpu.memory_space<hbm>> -> memref<40x512xf32, #tpu.memory_space<hbm>>
        %dma_wait3A_206 = arith.constant 0 : i32
        %dma_wait3A_207 = tpu.memref_slice %arg5[%multiple_of3A_185, %dma_wait3A_206] : memref<100000x512xf32, #tpu.memory_space<hbm>> -> memref<40x512xf32, #tpu.memory_space<hbm>>
        %dma_wait3A_208 = arith.constant 0 : i32
        %dma_wait3A_209 = arith.constant 0 : i32
        %dma_wait3A_210 = tpu.memref_slice %arg8[%run_scoped3A_186, %dma_wait3A_208, %dma_wait3A_209] : memref<2x40x512xf32, #tpu.memory_space<vmem>> -> memref<1x40x512xf32, #tpu.memory_space<vmem>>
        %dma_wait3A_211 = tpu.memref_squeeze %dma_wait3A_210 : memref<1x40x512xf32, #tpu.memory_space<vmem>> -> memref<40x512xf32, #tpu.memory_space<vmem>>
        tpu.wait_dma2 semaphore(%run_scoped3A_187 : memref<!tpu.dma_semaphore, #tpu.memory_space<semaphore_mem>>) src(%dma_wait3A_211 : memref<40x512xf32, #tpu.memory_space<vmem>>) dst(%dma_wait3A_207 : memref<40x512xf32, #tpu.memory_space<hbm>>)
        tpu.yield
      }) : () -> ()
    }
    %dma_wait3A = arith.constant 0 : i32
    %dma_wait3A_54 = arith.constant 0 : i32
    %dma_wait3A_55 = arith.constant 0 : i32
    %dma_wait3A_56 = tpu.memref_slice %arg8[%dma_wait3A, %dma_wait3A_54, %dma_wait3A_55] : memref<2x40x512xf32, #tpu.memory_space<vmem>> -> memref<1x40x256xf32, #tpu.memory_space<vmem>>
    %dma_wait3A_57 = tpu.memref_squeeze %dma_wait3A_56 : memref<1x40x256xf32, #tpu.memory_space<vmem>> -> memref<40x256xf32, #tpu.memory_space<vmem>>
    %dma_wait3A_58 = arith.constant 0 : i32
    %dma_wait3A_59 = tpu.memref_slice %arg6[%dma_wait3A_58] : memref<3160xi32, #tpu.memory_space<vmem>> -> memref<40xi32, #tpu.memory_space<vmem>>
    %dma_wait3A_60 = arith.constant 0 : i32
    %dma_wait3A_61 = arith.constant 0 : i32
    %dma_wait3A_62 = tpu.memref_slice %arg4[%dma_wait3A_60, %dma_wait3A_61] : memref<4096x256xf32, #tpu.memory_space<hbm>> -> memref<4096x256xf32, #tpu.memory_space<hbm>>
    tpu.wait_indirect_dma semaphore(%arg9 : memref<!tpu.dma_semaphore, #tpu.memory_space<semaphore_mem>>) src(%dma_wait3A_62 : memref<4096x256xf32, #tpu.memory_space<hbm>>) dst(%dma_wait3A_57 : memref<40x256xf32, #tpu.memory_space<vmem>>)
    %dma_wait3A_63 = arith.constant 0 : i32
    %dma_wait3A_64 = arith.constant 0 : i32
    %dma_wait3A_65 = arith.constant 256 : i32
    %dma_wait3A_66 = tpu.memref_slice %arg8[%dma_wait3A_63, %dma_wait3A_64, %dma_wait3A_65] : memref<2x40x512xf32, #tpu.memory_space<vmem>> -> memref<1x40x256xf32, #tpu.memory_space<vmem>>
    %dma_wait3A_67 = tpu.memref_squeeze %dma_wait3A_66 : memref<1x40x256xf32, #tpu.memory_space<vmem>> -> memref<40x256xf32, #tpu.memory_space<vmem>>
    %dma_wait3A_68 = arith.constant 0 : i32
    %dma_wait3A_69 = tpu.memref_slice %arg7[%dma_wait3A_68] : memref<3160xi32, #tpu.memory_space<vmem>> -> memref<40xi32, #tpu.memory_space<vmem>>
    %dma_wait3A_70 = arith.constant 0 : i32
    %dma_wait3A_71 = arith.constant 0 : i32
    %dma_wait3A_72 = tpu.memref_slice %arg4[%dma_wait3A_70, %dma_wait3A_71] : memref<4096x256xf32, #tpu.memory_space<hbm>> -> memref<4096x256xf32, #tpu.memory_space<hbm>>
    tpu.wait_indirect_dma semaphore(%arg9 : memref<!tpu.dma_semaphore, #tpu.memory_space<semaphore_mem>>) src(%dma_wait3A_72 : memref<4096x256xf32, #tpu.memory_space<hbm>>) dst(%dma_wait3A_67 : memref<40x256xf32, #tpu.memory_space<vmem>>)
    return
  }
}

</mosaic_0001>

<sc_bundles>
// kernel: _pe_lookup.3.cloned.1.call-start
scs
__scs_entry_jumppad:
0x0: {  	(pc) =	sbr.rel $0x88, $3  }
0x1: {  	(tag) =	ssettag $0x0;
	lr =	simm.s32 $0x1  }
0x2: {  	[smem:$0x3F9E] =	sst lr;
	_ =	strace $0xD0000000  }
0x3: {  	_ = 	snop  }
0x4: {  	_ = 	snop  }
0x5: {  	_ = 	snop  }
0x6: {  	_ = 	snop  }
0x7: {  	_ = 	snop  }
__scs_overlays_trampoline_lowered:
0x8: {  	[smem:$0x3FAD] =	sst s0  }
0x9: {  	[smem:$0x3FAE] =	sst s1  }
0xa: {  	[smem:$0x3FAF] =	sst s2  }
0xb: {  	[smem:$0x3FB0] =	sst s3  }
0xc: {  	[smem:$0x3FB1] =	sst s4  }
0xd: {  	[smem:$0x3FB2] =	sst s5  }
0xe: {  	[smem:$0x3FB3] =	sst s6  }
0xf: {  	[smem:$0x3FB4] =	sst s7  }
0x10: {  	[smem:$0x3FB5] =	sst s8  }
0x11: {  	[smem:$0x3FB6] =	sst s9;
	s0 =	simm.s32 @!p0 $0x0  }
0x12: {  	s1 =	sld [smem:$0x3F9C];
	s0 =	simm.s32 @p0 $0x1  }
0x13: {  	[smem:$0x3FB7] =	sst s0;
	s0 =	simm.s32 @!p1 $0x0  }
0x14: {  	s2 =	sld [smem:$0x3F9B];
	s0 =	simm.s32 @p1 $0x1  }
0x15: {  	[smem:$0x3FB8] =	sst s0;
	s0 =	simm.s32 @!p2 $0x0  }
0x16: {  	s3 =	sld [smem:$0x3FDB];
	s0 =	simm.s32 @p2 $0x1  }
0x17: {  	s4 =	simm.s32 $0x1BF5;
	[smem:$0x3FBA] =	sst s0  }
0x18: {  	s0 =	sld [smem:$0x3F9D];
	_ =	swait.ge [sflag:s4], $0x0  }
0x19: {  	s7 =	sld [smem:$0x3F9E]  }
0x1a: {  	s8 =	sadd.s32 $0xFFFFE003, lr  }
0x1b: {  	s9 =	sadd.s32 $0xFFFFFEF7, lr;
	s5 =	simm.s32 $0xFFFFFFFF;
	p2 =	slt.u32 s8, $0xFFFFF086  }
0x1c: {  	p1 =	slt.u32 s9, $0xF7A;
	s5 =	simm.s32 @!p2 $0x0  }
0x1d: {  	s5 =	simm.s32 @p1 $0x1;
	p0 =	seq.s32 s7, s2  }
0x1e: {  	s7 =	smul.u32 @!p0 $0xF7A, s2;
	p2 =	seq.s32 @!p0 s5, $0x0  }
0x1f: {  	s9 =	smul.u32 $0xF7A, s1;
	s8 =	simm.s32 @!p0 $0x1BF5;
	p2 =	por !p2, p0  }
0x20: {  	[sflag:s8] =	ssyncset.s32 @!p0 $0xFFFFF086;
	s6 =	sadd.s32 @!p0 s3, s7;
	s7 =	simm.s32 @!p0 $0x108  }
0x21: {  	s3 =	sadd.s32 s3, s9;
	s6 =	sadd.s32 @!p0 $0x88, s6;
	s7 =	simm.s32 @p2 $0x1082  }
0x22: {  	[simem:s7], [sflag:s8] =	dma.local @!p0 [hbm:s6], $0xF7A  }
0x23: {  	s9 =	sor.u32 $0xD0000000, s2;
	s6 =	simm.s32 $0x108;
	_ =	swait.ge @!p0 [sflag:s8], $0x0  }
0x24: {  	s3 =	sadd.s32 $0x88, s3;
	s6 =	simm.s32 @!p1 $0x1082;
	[sflag:s4] =	ssyncset.s32 $0xFFFFF086  }
0x25: {  	[simem:s6], [sflag:s4] =	dma.local [hbm:s3], $0xF7A  }
0x26: {  	[smem:$0x3F9E] =	sst s1;
	(tag) =	ssettag s2;
	_ =	strace s9  }
0x27: {  	s1 =	sld [smem:$0x3FAE]  }
0x28: {  	s2 =	sld [smem:$0x3FAF]  }
0x29: {  	s4 =	sld [smem:$0x3FB1]  }
0x2a: {  	p0 =	seq.s32 s5, $0x0;
	s5 =	sld [smem:$0x3FB2]  }
0x2b: {  	s6 =	sld [smem:$0x3FB3]  }
0x2c: {  	s7 =	sld [smem:$0x3FB4]  }
0x2d: {  	s3 =	simm.s32 $0x108;
	s8 =	sld [smem:$0x3FB5]  }
0x2e: {  	s3 =	simm.s32 @!p0 $0x1082;
	s9 =	sld [smem:$0x3FB6]  }
0x2f: {  	lr =	sadd.s32 s0, s3;
	s0 =	sld [smem:$0x3FAD]  }
0x30: {  	s3 =	sld [smem:$0x3FB0]  }
0x31: {  	[smem:$0x3FB9] =	sst s10  }
0x32: {  	s10 =	sld [smem:$0x3FB7];
	_ =	sdelay $0x3  }
0x33: {  	p0 =	seq.s32 s10, $0x1;
	s10 =	sld [smem:$0x3FB9];
	_ =	sdelay $0x3  }
0x34: {  	[smem:$0x3FB9] =	sst s10  }
0x35: {  	s10 =	sld [smem:$0x3FB8];
	_ =	sdelay $0x3  }
0x36: {  	p1 =	seq.s32 s10, $0x1;
	s10 =	sld [smem:$0x3FB9];
	_ =	sdelay $0x3  }
0x37: {  	[smem:$0x3FB9] =	sst s10  }
0x38: {  	s10 =	sld [smem:$0x3FBA]  }
0x39: {  	_ = 	snop;
	(pc) =	sbr.ind lr, $3  }
0x3a: {  	_ = 	snop  }
0x3b: {  	_ = 	snop  }
0x3c: {  	p2 =	seq.s32 s10, $0x1;
	s10 =	sld [smem:$0x3FB9]  }
0x3d: {  	_ =	shalt  }
0x3e: {  	_ =	shalt  }
0x3f: {  	_ =	shalt  }
0x40: {  	_ =	shalt  }
0x41: {  	_ =	shalt  }
0x42: {  	_ =	shalt  }
0x43: {  	_ =	shalt  }
0x44: {  	_ =	shalt  }
0x45: {  	_ =	shalt  }
0x46: {  	_ =	shalt  }
0x47: {  	_ =	shalt  }
0x48: {  	_ =	shalt  }
0x49: {  	_ =	shalt  }
0x4a: {  	_ =	shalt  }
0x4b: {  	_ =	shalt  }
0x4c: {  	_ =	shalt  }
0x4d: {  	_ =	shalt  }
0x4e: {  	_ =	shalt  }
0x4f: {  	_ =	shalt  }
0x50: {  	_ =	shalt  }
0x51: {  	_ =	shalt  }
0x52: {  	_ =	shalt  }
0x53: {  	_ =	shalt  }
0x54: {  	_ =	shalt  }
0x55: {  	_ =	shalt  }
0x56: {  	_ =	shalt  }
0x57: {  	_ =	shalt  }
0x58: {  	_ =	shalt  }
0x59: {  	_ =	shalt  }
0x5a: {  	_ =	shalt  }
0x5b: {  	_ =	shalt  }
0x5c: {  	_ =	shalt  }
0x5d: {  	_ =	shalt  }
0x5e: {  	_ =	shalt  }
0x5f: {  	_ =	shalt  }
0x60: {  	_ =	shalt  }
0x61: {  	_ =	shalt  }
0x62: {  	_ =	shalt  }
0x63: {  	_ =	shalt  }
0x64: {  	_ =	shalt  }
0x65: {  	_ =	shalt  }
0x66: {  	_ =	shalt  }
0x67: {  	_ =	shalt  }
0x68: {  	_ =	shalt  }
0x69: {  	_ =	shalt  }
0x6a: {  	_ =	shalt  }
0x6b: {  	_ =	shalt  }
0x6c: {  	_ =	shalt  }
0x6d: {  	_ =	shalt  }
0x6e: {  	_ =	shalt  }
0x6f: {  	_ =	shalt  }
0x70: {  	_ =	shalt  }
0x71: {  	_ =	shalt  }
0x72: {  	_ =	shalt  }
0x73: {  	_ =	shalt  }
0x74: {  	_ =	shalt  }
0x75: {  	_ =	shalt  }
0x76: {  	_ =	shalt  }
0x77: {  	_ =	shalt  }
0x78: {  	_ =	shalt  }
0x79: {  	_ =	shalt  }
0x7a: {  	_ =	shalt  }
0x7b: {  	_ =	shalt  }
0x7c: {  	_ =	shalt  }
0x7d: {  	_ =	shalt  }
0x7e: {  	_ =	shalt  }
0x7f: {  	_ =	shalt  }
0x80: {  	_ =	shalt  }
0x81: {  	_ =	shalt  }
0x82: {  	_ =	shalt  }
0x83: {  	_ =	shalt  }
0x84: {  	_ =	shalt  }
0x85: {  	_ =	shalt  }
0x86: {  	_ =	shalt  }
0x87: {  	_ =	shalt  }
.Lfunc_end0:
.L_simem_size_0:
called_computation_lowered:
.L_overlay_start_0:
0x88: {  	s2 =	sld [smem:$0x3FD9]  }
0x89: {  	s3 =	sld [smem:$0x3FFE];
	_ =	sdelay $0x1  }
0x8a: {  	s1 =	srdreg.scid  }
0x8b: {  	s0 =	sand.u32 $0x1, s1  }
0x8c: {  	s18 =	sshll.u32 s0, $0xA;
	s2 =	sadd.s32 s3, s2  }
0x8d: {  	s2 =	sadd.s32 s2, s18  }
0x8e: {  	[smem:$0x3FC5] =	sst s2  }
0x8f: {  	_ = 	snop  }
0x90: {  	s2 =	sld [smem:$0x3FC9]  }
0x91: {  	s19 =	sld [smem:$0x3FC8]  }
0x92: {  	s4 =	sld [smem:$0x3FC7]  }
0x93: {  	s5 =	sld [smem:$0x3FD0];
	(tm) =	ssettm $0x1  }
0x94: {  	s6 =	sld [smem:$0x3FFB];
	_ =	sdelay $0x3  }
0x95: {  	_ =	strace s6  }
0x96: {  	s6 =	sld [smem:$0x3FFC];
	_ =	sdelay $0x3  }
0x97: {  	_ =	strace s6  }
0x98: {  	s6 =	sld [smem:$0x3FFD];
	_ =	sdelay $0x3  }
0x99: {  	_ =	strace s6  }
0x9a: {  	_ =	strace $0x8FFFFFFF  }
0x9b: {  	s20 =	sld [smem:$0x3FDB];
	_ =	sdelay $0x1  }
0x9c: {  	s7 =	simm.s32 $_scs_section_size  }
0x9d: {  	s8 =	simm.s32 $_size__tile_overlayer_lowered;
	s9 =	simm.s32 $_tile_overlayer_lowered  }
0x9e: {  	s23 =	simm.s32 $0x1BFF;
	s22 =	sshll.u32 s9, $0x1;
	s6 =	sadd.s32 s7, s20  }
0x9f: {  	s10 =	simm.s32 $0x0;
	s21 =	sshll.u32 s8, $0x1;
	s8 =	sadd.s32 s22, s6  }
0xa0: {  	[timem:s10], [sflag:s23] =	dma.local [hbm:s8], s21  }
0xa1: {  	_ =	swait.ge [sflag:s23], s21  }
0xa2: {  	s7 =	ssub.s32 $0x0, s21;
	[sflag:s23] =	ssyncset.done $0x0  }
0xa3: {  	[sflag:s23] =	ssyncadd.s32 s7;
	_ =	sdelay $0x1  }
0xa4: {  	s24 =	simm.s32 $0x1B8B  }
0xa5: {  	_ =	swait.ge [sflag:s24], $0x1  }
0xa6: {  	[sflag:s24] =	ssyncset.done $0x0  }
0xa7: {  	s25 =	simm.s32 $0x1B8E;
	[sflag:s24] =	ssyncadd.s32 $0xFFFFFFFF  }
0xa8: {  	s26 =	simm.s32 $execute0_lowered;
	[smem:$0x3FD2] =	sst s25  }
0xa9: {  	s7 =	sshll.u32 s26, $0x1;
	_ =	strace $0x80000046;
	[dreg:$0x1] =	wrdreg $0xFFFFFFFF  }
0xaa: {  	s28 =	simm.s32 $_size_execute0_lowered;
	s6 =	sadd.s32 s6, s7;
	[dreg:$0x0] =	wrdreg $0x0  }
0xab: {  	s7 =	sshll.u32 s28, $0x1;
	[dreg:$0x2] =	wrdreg s6  }
0xac: {  	[dreg:$0x3] =	wrdreg s7  }
0xad: {  	[dreg:$0x4] =	wrdreg $0xC0  }
0xae: {  	_ =	task [dreg:s10], $0x5FFFF  }
0xaf: {  	[dreg:$0x1] =	wrdreg $0xFFFFFFFF  }
0xb0: {  	[dreg:$0x0] =	wrdreg $0x60  }
0xb1: {  	[dreg:$0x2] =	wrdreg s2  }
0xb2: {  	[dreg:$0x3] =	wrdreg s19  }
0xb3: {  	[dreg:$0x4] =	wrdreg s4  }
0xb4: {  	[dreg:$0x5] =	wrdreg s5  }
0xb5: {  	[dreg:$0x6] =	wrdreg $0x9  }
0xb6: {  	_ =	task.clear_ibuf [dreg:s10], $0x7FFFF;
	_ =	strace $0x90000046  }
0xb7: {  	s29 =	simm.s32 $0x9;
	_ =	strace $0x80000048  }
0xb8: {  	_ =	swait.ge [sflag:s29], $0x1  }
0xb9: {  	[sflag:s29] =	ssyncadd.s32 $0xFFFFFFFF  }
0xba: {  	_ =	strace $0x90000048  }
0xbb: {  	_ =	sfence  }
0xbc: {  	s30 =	sld [smem:$0x0];
	_ =	sdelay $0x2  }
0xbd: {  	s31 =	sshll.u32 s1, $0xD;
	s1 =	sshrl.u32 s1, $0x2  }
0xbe: {  	s3 =	sand.u32 $0x4000, s31;
	s1 =	sadd.s32 s1, s30  }
0xbf: {  	s0 =	sor.u32 s3, s0;
	s1 =	sshll.u32 s1, $0x11  }
0xc0: {  	s0 =	sor.u32 s1, s0  }
0xc1: {  	s0 =	sadd.s32 $0x8F2B, s0  }
0xc2: {  	[sflag:s0] =	ssyncadd.remote.s32 $0x1  }
0xc3: {  	_ =	sfence.sel $0xFFFF  }
0xc4: {  	[dreg:$0x0] =	wrdreg $0xFFFFFFFF;
	(pc) =	sbr.abs _section_cstart, $3  }
0xc5: {  	[dreg:$0x1] =	wrdreg $0xFFFFFFFF  }
0xc6: {  	_ =	task.clear_ibuf [dreg:s10], $0x2FFFF;
	_ =	strace $0x9FFFFFFF  }
0xc7: {  	(tm) =	ssettm $0x7FFFFFFF  }
tec
execute0_lowered:
.L_overlay_start_1:
0x0: {  	(tag) =	ssettag $0x1  }
0x1: {  	s8 =	rddreg [dreg:$0x0]  }
0x2: {  	s1 =	srdreg.scid;
	s9 =	rddreg [dreg:$0x1]  }
0x3: {  	s0 =	stileid.u32;
	s2 =	rddreg [dreg:$0x2]  }
0x4: {  	s3 =	rddreg [dreg:$0x3];
	s4 =	simm.s32 $0x0;
	s13 =	simm.s32 $0x1900  }
0x5: {  	s15 =	simm.s32 $0x7900;
	s14 =	simm.s32 $0x2900;
	s16 =	simm.s32 $0x8900  }
0x6: {  	s17 =	simm.s32 $0x9900;
	s18 =	simm.s32 $0xA900;
	s19 =	simm.s32 $0x7100  }
0x7: {  	s20 =	simm.s32 $0x8100;
	s21 =	simm.s32 $0x9100;
	s22 =	simm.s32 $0xA100  }
0x8: {  	s24 =	simm.s32 $0xB100;
	s23 =	simm.s32 $0x6900;
	s25 =	simm.s32 $0x2  }
0x9: {  	s26 =	simm.s32 $0x0;
	s6 =	sand.u32 $0x1, s1;
	[smem:$0x7FF] =	sst s4  }
0xa: {  	s29 =	sshll.u32 s0, $0x1;
	_ =	strace $0x80000047;
	[dreg:$0x6] =	wrdreg s15  }
0xb: {  	p0 =	slt.u32 s0, $0x2;
	s5 =	sor.u32 s6, s29;
	[dreg:$0x7] =	wrdreg s16  }
0xc: {  	s30 =	ssub.s32 $0x2, s6;
	s6 =	simm.s32 $0x4E;
	[dreg:$0x8] =	wrdreg s17  }
0xd: {  	s15 =	simm.s32 $0x3900;
	s16 =	simm.s32 $0x4900;
	[dreg:$0x9] =	wrdreg s18  }
0xe: {  	s17 =	simm.s32 $0x5900;
	[dreg:$0xa] =	wrdreg s19;
	s7 =	smul.u32 $0x4E, s5  }
0xf: {  	s18 =	simm.s32 $0x2100;
	[dreg:$0xb] =	wrdreg s20;
	s5 =	smin.u32 s5, $0x4  }
0x10: {  	s19 =	simm.s32 $0x3100;
	[dreg:$0xc] =	wrdreg s21;
	s5 =	sadd.s32 s5, s7  }
0x11: {  	s20 =	simm.s32 $0x4100;
	[dreg:$0xd] =	wrdreg s22;
	s10 =	smul.u32 $0x28, s5  }
0x12: {  	s21 =	simm.s32 $0x5100;
	s22 =	simm.s32 $0x6100;
	[dreg:$0xe] =	wrdreg s24  }
0x13: {  	s24 =	simm.s32 $0x1;
	s11 =	sshrl.u32 s30, $0x1;
	s12 =	smin.u32 s10, $0x17A48  }
0x14: {  	s6 =	simm.s32 @!p0 $0x4D;
	s11 =	ssub.s32 s30, s11;
	s7 =	ssub.s32 s10, s12  }
0x15: {  	v2 =	vlaneseq.u32;
	s31 =	sshrl.u32 s12, $0x3;
	s12 =	simm.s32 $0x50;
	s10 =	smax.u32 s11, $0x1  }
0x16: {  	vm0 =	vmmov $0xffff;
	v1 =	vshrl.u32 v2, $0x3;
	v0 =	vand.u32 $0x7, v2;
	s11 =	simm.s32 $0x3;
	s8 =	sadd.s32 s8, s31;
	s12 =	simm.s32 @!p0 $0x4E  }
0x17: {  	v2 =	vor.u32 $0x8, v2;
	v1 =	vmul.u32 $0x8, v1;
	s9 =	sadd.s32 s9, s31;
	v3 =	vmov s7;
	[dreg:$0x5] =	wrdreg s12;
	s12 =	simm.s32 $0xC80  }
.LBB2_1:
0x18: {  	[tilespmem:s4], [sflag:$0x3] =	stream.linear.gather [hbm4b:s8+s4], $0xC58, $0x38;
	[tilespmem:$0xB900] =	vst v63  }
0x19: {  	_ =	swait.ge [sflag:s11], $0xC58  }
0x1a: {  	[sflag:s11] =	ssyncset.done $0x0  }
0x1b: {  	[sflag:s11] =	ssyncadd.s32 $0xFFFFF3A8  }
0x1c: {  	[tilespmem:s12], [sflag:$0x3] =	stream.linear.gather [hbm4b:s9+s4], $0xC58, $0x38;
	[tilespmem:$0xB900] =	vst v63  }
0x1d: {  	_ =	swait.ge [sflag:s11], $0xC58  }
0x1e: {  	[sflag:s11] =	ssyncset.done $0x0  }
0x1f: {  	[sflag:s11] =	ssyncadd.s32 $0xFFFFF3A8  }
0x20: {  	v4 =	vld [tilespmem:s7+$0x0];
	_ =	sdelay $0x4  }
0x21: {  	v5 =	vshll.u32 v4, $0x1  }
0x22: {  	v4 =	vand.u32 $0x7, v4;
	v5 =	vand.u32 $0xFFFFFFF0, v5  }
0x23: {  	v4 =	vor.u32 v4, v5  }
0x24: {  	v5 =	vperm.xlane v4, v0;
	_ =	sdelay $0x1  }
0x25: {  	v4 =	vperm.xlane v4, v2;
	v5 =	vadd.s32 v1, v5;
	_ =	sdelay $0x1  }
0x26: {  	v4 =	vadd.s32 v1, v4;
	_ =	sdelay $0x2  }
0x27: {  	[tilespmem:s13], [sflag:$0x1] =	stream.indirect_vreg.gather [hbm4b:s2+s4], $0x80, v5, vm0, $0xb8;
	[tilespmem:$0xB900] =	vst v63  }
0x28: {  	_ = 	snop  }
0x29: {  	[tilespmem:s14], [sflag:$0x1] =	stream.indirect_vreg.gather [hbm4b:s2+s4], $0x80, v4, vm0, $0xb8;
	[tilespmem:$0xB900] =	vst v63  }
0x2a: {  	v4 =	vld [tilespmem:s7+$0x10];
	_ =	sdelay $0x4  }
0x2b: {  	v5 =	vshll.u32 v4, $0x1  }
0x2c: {  	v4 =	vand.u32 $0x7, v4;
	v5 =	vand.u32 $0xFFFFFFF0, v5  }
0x2d: {  	v4 =	vor.u32 v4, v5  }
0x2e: {  	v5 =	vperm.xlane v4, v0;
	_ =	sdelay $0x1  }
0x2f: {  	v4 =	vperm.xlane v4, v2;
	v5 =	vadd.s32 v1, v5;
	_ =	sdelay $0x1  }
0x30: {  	v4 =	vadd.s32 v1, v4;
	_ =	sdelay $0x2  }
0x31: {  	[tilespmem:s15], [sflag:$0x1] =	stream.indirect_vreg.gather [hbm4b:s2+s4], $0x80, v5, vm0, $0xb8;
	[tilespmem:$0xB900] =	vst v63  }
0x32: {  	_ = 	snop  }
0x33: {  	[tilespmem:s16], [sflag:$0x1] =	stream.indirect_vreg.gather [hbm4b:s2+s4], $0x80, v4, vm0, $0xb8;
	[tilespmem:$0xB900] =	vst v63  }
0x34: {  	v4 =	vld.msk [tilespmem:s7+$0x20], $0xff;
	_ =	sdelay $0x4  }
0x35: {  	v5 =	vshll.u32 v4, $0x1  }
0x36: {  	v4 =	vand.u32 $0x7, v4;
	v5 =	vand.u32 $0xFFFFFFF0, v5  }
0x37: {  	v4 =	vor.u32 v4, v5  }
0x38: {  	v4 =	vperm.xlane v4, v0;
	_ =	sdelay $0x1  }
0x39: {  	v4 =	vadd.s32 v1, v4;
	_ =	sdelay $0x4  }
0x3a: {  	[tilespmem:s17], [sflag:$0x1] =	stream.indirect_vreg.gather [hbm4b:s2+s4], $0x80, v4, vm0, $0xb8;
	[tilespmem:$0xB900] =	vst v63  }
0x3b: {  	v4 =	vld [tilespmem:s7+$0xC80];
	_ =	sdelay $0x4  }
0x3c: {  	v5 =	vshll.u32 v4, $0x1  }
0x3d: {  	v4 =	vand.u32 $0x7, v4;
	v5 =	vand.u32 $0xFFFFFFF0, v5  }
0x3e: {  	v4 =	vor.u32 v4, v5  }
0x3f: {  	v5 =	vperm.xlane v4, v0;
	_ =	sdelay $0x1  }
0x40: {  	v4 =	vperm.xlane v4, v2;
	v5 =	vadd.s32 v1, v5;
	_ =	sdelay $0x1  }
0x41: {  	v4 =	vadd.s32 v1, v4;
	_ =	sdelay $0x2  }
0x42: {  	[tilespmem:s18], [sflag:$0x1] =	stream.indirect_vreg.gather [hbm4b:s2+s4], $0x80, v5, vm0, $0xb8;
	[tilespmem:$0xB900] =	vst v63  }
0x43: {  	_ = 	snop  }
0x44: {  	[tilespmem:s19], [sflag:$0x1] =	stream.indirect_vreg.gather [hbm4b:s2+s4], $0x80, v4, vm0, $0xb8;
	[tilespmem:$0xB900] =	vst v63  }
0x45: {  	v4 =	vld [tilespmem:s7+$0xC90];
	_ =	sdelay $0x4  }
0x46: {  	v5 =	vshll.u32 v4, $0x1  }
0x47: {  	v4 =	vand.u32 $0x7, v4;
	v5 =	vand.u32 $0xFFFFFFF0, v5  }
0x48: {  	v4 =	vor.u32 v4, v5  }
0x49: {  	v5 =	vperm.xlane v4, v0;
	_ =	sdelay $0x1  }
0x4a: {  	v4 =	vperm.xlane v4, v2;
	v5 =	vadd.s32 v1, v5;
	_ =	sdelay $0x1  }
0x4b: {  	v4 =	vadd.s32 v1, v4;
	_ =	sdelay $0x2  }
0x4c: {  	[tilespmem:s20], [sflag:$0x1] =	stream.indirect_vreg.gather [hbm4b:s2+s4], $0x80, v5, vm0, $0xb8;
	[tilespmem:$0xB900] =	vst v63  }
0x4d: {  	_ = 	snop  }
0x4e: {  	[tilespmem:s21], [sflag:$0x1] =	stream.indirect_vreg.gather [hbm4b:s2+s4], $0x80, v4, vm0, $0xb8;
	[tilespmem:$0xB900] =	vst v63  }
0x4f: {  	v4 =	vld.msk [tilespmem:s7+$0xCA0], $0xff;
	_ =	sdelay $0x4  }
0x50: {  	v5 =	vshll.u32 v4, $0x1  }
0x51: {  	v4 =	vand.u32 $0x7, v4;
	v5 =	vand.u32 $0xFFFFFFF0, v5  }
0x52: {  	v4 =	vor.u32 v4, v5  }
0x53: {  	v4 =	vperm.xlane v4, v0;
	_ =	sdelay $0x1  }
0x54: {  	v4 =	vadd.s32 v1, v4;
	_ =	sdelay $0x3  }
0x55: {  	s28 =	simm.s32 $0x0  }
0x56: {  	[tilespmem:s22], [sflag:$0x1] =	stream.indirect_vreg.gather [hbm4b:s2+s4], $0x80, v4, vm0, $0xb8;
	[tilespmem:$0xB900] =	vst v63  }
.LBB2_2:
0x57: {  	s30 =	sadd.s32 $0x1, s28  }
0x58: {  	s29 =	smov.u32 s6;
	p0 =	slt.s32 s30, s6  }
0x59: {  	s29 =	smov.u32 @p0 s30  }
0x5a: {  	s30 =	smul.u32 $0x28, s29;
	_ =	sdelay $0x1  }
0x5b: {  	v4 =	vld.idx.msk [tilespmem:v3+s30+$0x0 ss:$0x1], $0xffff;
	_ =	sdelay $0x4  }
0x5c: {  	v5 =	vshll.u32 v4, $0x1  }
0x5d: {  	v4 =	vand.u32 $0x7, v4;
	v5 =	vand.u32 $0xFFFFFFF0, v5  }
0x5e: {  	v4 =	vor.u32 v4, v5  }
0x5f: {  	v5 =	vperm.xlane v4, v0;
	_ =	sdelay $0x1  }
0x60: {  	v4 =	vperm.xlane v4, v2;
	v5 =	vadd.s32 v1, v5;
	_ =	sdelay $0x1  }
0x61: {  	v4 =	vadd.s32 v1, v4;
	_ =	sdelay $0x2  }
0x62: {  	[tilespmem:s23], [sflag:$0x2] =	stream.indirect_vreg.gather [hbm4b:s2+s4], $0x80, v5, vm0, $0xb8;
	[tilespmem:$0xB900] =	vst v63  }
0x63: {  	s31 =	rddreg [dreg:$0x6]  }
0x64: {  	[tilespmem:s31], [sflag:$0x2] =	stream.indirect_vreg.gather [hbm4b:s2+s4], $0x80, v4, vm0, $0xb8;
	[tilespmem:$0xB900] =	vst v63  }
0x65: {  	v4 =	vld.idx.msk [tilespmem:v3+s30+$0x10 ss:$0x1], $0xffff;
	_ =	sdelay $0x4  }
0x66: {  	v5 =	vshll.u32 v4, $0x1  }
0x67: {  	v4 =	vand.u32 $0x7, v4;
	v5 =	vand.u32 $0xFFFFFFF0, v5  }
0x68: {  	v4 =	vor.u32 v4, v5  }
0x69: {  	v5 =	vperm.xlane v4, v0;
	_ =	sdelay $0x1  }
0x6a: {  	v4 =	vperm.xlane v4, v2;
	v5 =	vadd.s32 v1, v5;
	_ =	sdelay $0x1  }
0x6b: {  	v4 =	vadd.s32 v1, v4;
	_ =	sdelay $0x1  }
0x6c: {  	s31 =	rddreg [dreg:$0x7]  }
0x6d: {  	[tilespmem:s31], [sflag:$0x2] =	stream.indirect_vreg.gather [hbm4b:s2+s4], $0x80, v5, vm0, $0xb8;
	[tilespmem:$0xB900] =	vst v63  }
0x6e: {  	s1 =	rddreg [dreg:$0x8]  }
0x6f: {  	[tilespmem:s1], [sflag:$0x2] =	stream.indirect_vreg.gather [hbm4b:s2+s4], $0x80, v4, vm0, $0xb8;
	[tilespmem:$0xB900] =	vst v63  }
0x70: {  	v4 =	vld.idx.msk [tilespmem:v3+s30+$0x20 ss:$0x1], $0xff;
	_ =	sdelay $0x4  }
0x71: {  	v5 =	vshll.u32 v4, $0x1  }
0x72: {  	v4 =	vand.u32 $0x7, v4;
	v5 =	vand.u32 $0xFFFFFFF0, v5  }
0x73: {  	v4 =	vor.u32 v4, v5  }
0x74: {  	v4 =	vperm.xlane v4, v0;
	_ =	sdelay $0x1  }
0x75: {  	v4 =	vadd.s32 v1, v4;
	_ =	sdelay $0x3  }
0x76: {  	s31 =	rddreg [dreg:$0x9]  }
0x77: {  	[tilespmem:s31], [sflag:$0x2] =	stream.indirect_vreg.gather [hbm4b:s2+s4], $0x80, v4, vm0, $0xb8;
	[tilespmem:$0xB900] =	vst v63  }
0x78: {  	v4 =	vld.idx.msk [tilespmem:v3+s30+$0xC80 ss:$0x1], $0xffff;
	_ =	sdelay $0x4  }
0x79: {  	v5 =	vshll.u32 v4, $0x1  }
0x7a: {  	v4 =	vand.u32 $0x7, v4;
	v5 =	vand.u32 $0xFFFFFFF0, v5  }
0x7b: {  	v4 =	vor.u32 v4, v5  }
0x7c: {  	v5 =	vperm.xlane v4, v0;
	_ =	sdelay $0x1  }
0x7d: {  	v4 =	vperm.xlane v4, v2;
	v5 =	vadd.s32 v1, v5;
	_ =	sdelay $0x1  }
0x7e: {  	v4 =	vadd.s32 v1, v4;
	_ =	sdelay $0x1  }
0x7f: {  	s1 =	rddreg [dreg:$0xa]  }
0x80: {  	[tilespmem:s1], [sflag:$0x2] =	stream.indirect_vreg.gather [hbm4b:s2+s4], $0x80, v5, vm0, $0xb8;
	[tilespmem:$0xB900] =	vst v63  }
0x81: {  	s31 =	rddreg [dreg:$0xb]  }
0x82: {  	[tilespmem:s31], [sflag:$0x2] =	stream.indirect_vreg.gather [hbm4b:s2+s4], $0x80, v4, vm0, $0xb8;
	[tilespmem:$0xB900] =	vst v63  }
0x83: {  	v4 =	vld.idx.msk [tilespmem:v3+s30+$0xC90 ss:$0x1], $0xffff;
	_ =	sdelay $0x4  }
0x84: {  	v5 =	vshll.u32 v4, $0x1  }
0x85: {  	v4 =	vand.u32 $0x7, v4;
	v5 =	vand.u32 $0xFFFFFFF0, v5  }
0x86: {  	v4 =	vor.u32 v4, v5  }
0x87: {  	v5 =	vperm.xlane v4, v0;
	_ =	sdelay $0x1  }
0x88: {  	v4 =	vperm.xlane v4, v2;
	v5 =	vadd.s32 v1, v5;
	_ =	sdelay $0x1  }
0x89: {  	v4 =	vadd.s32 v1, v4;
	_ =	sdelay $0x1  }
0x8a: {  	s1 =	rddreg [dreg:$0xc]  }
0x8b: {  	[tilespmem:s1], [sflag:$0x2] =	stream.indirect_vreg.gather [hbm4b:s2+s4], $0x80, v5, vm0, $0xb8;
	[tilespmem:$0xB900] =	vst v63  }
0x8c: {  	s31 =	rddreg [dreg:$0xd]  }
0x8d: {  	[tilespmem:s31], [sflag:$0x2] =	stream.indirect_vreg.gather [hbm4b:s2+s4], $0x80, v4, vm0, $0xb8;
	[tilespmem:$0xB900] =	vst v63  }
0x8e: {  	v4 =	vld.idx.msk [tilespmem:v3+s30+$0xCA0 ss:$0x1], $0xff;
	_ =	sdelay $0x4  }
0x8f: {  	v5 =	vshll.u32 v4, $0x1  }
0x90: {  	v4 =	vand.u32 $0x7, v4;
	v5 =	vand.u32 $0xFFFFFFF0, v5  }
0x91: {  	v4 =	vor.u32 v4, v5  }
0x92: {  	v4 =	vperm.xlane v4, v0;
	_ =	sdelay $0x1  }
0x93: {  	v4 =	vadd.s32 v1, v4;
	_ =	sdelay $0x3  }
0x94: {  	p0 =	slt.s32 s28, s6;
	s1 =	smov.u32 s6;
	s31 =	rddreg [dreg:$0xe]  }
0x95: {  	[tilespmem:s31], [sflag:$0x2] =	stream.indirect_vreg.gather [hbm4b:s2+s4], $0x80, v4, vm0, $0xb8;
	[tilespmem:$0xB900] =	vst v63  }
0x96: {  	s1 =	smov.u32 @p0 s28;
	_ =	swait.ge [sflag:s24], $0x2800  }
0x97: {  	s1 =	sadd.s32 s5, s1;
	[sflag:s24] =	ssyncset.done $0x0  }
0x98: {  	s1 =	smul.u32 $0x5000, s1;
	[sflag:s24] =	ssyncadd.s32 $0xFFFFD800  }
0x99: {  	_ =	swait.ge [sflag:s24], $0x2800  }
0x9a: {  	s1 =	sshrl.u32 s1, $0x3;
	[sflag:s24] =	ssyncset.done $0x0  }
0x9b: {  	s28 =	sadd.s32 $0x2, s28;
	s1 =	sadd.s32 s3, s1;
	[sflag:s24] =	ssyncadd.s32 $0xFFFFD800  }
0x9c: {  	[hbm4b:s1+s4] =	stream.linear.scatter [tilespmem:s13], [sflag:$0x3], $0x5000, $0x38;
	[tilespmem:$0xB900] =	vst v63  }
0x9d: {  	p0 =	slt.s32 s28, s6;
	s1 =	smov.u32 s6  }
0x9e: {  	_ =	swait.ge [sflag:s11], $0x5000;
	s1 =	smov.u32 @p0 s28  }
0x9f: {  	[sflag:s11] =	ssyncset.done $0x0;
	s1 =	smul.u32 $0x28, s1  }
0xa0: {  	[sflag:s11] =	ssyncadd.s32 $0xFFFFB000  }
0xa1: {  	v4 =	vld.idx.msk [tilespmem:v3+s1+$0x0 ss:$0x1], $0xffff;
	_ =	sdelay $0x4  }
0xa2: {  	v5 =	vshll.u32 v4, $0x1  }
0xa3: {  	v4 =	vand.u32 $0x7, v4;
	v5 =	vand.u32 $0xFFFFFFF0, v5  }
0xa4: {  	v4 =	vor.u32 v4, v5  }
0xa5: {  	v5 =	vperm.xlane v4, v0;
	_ =	sdelay $0x1  }
0xa6: {  	v4 =	vperm.xlane v4, v2;
	v5 =	vadd.s32 v1, v5;
	_ =	sdelay $0x1  }
0xa7: {  	v4 =	vadd.s32 v1, v4;
	_ =	sdelay $0x2  }
0xa8: {  	[tilespmem:s13], [sflag:$0x1] =	stream.indirect_vreg.gather [hbm4b:s2+s4], $0x80, v5, vm0, $0xb8;
	[tilespmem:$0xB900] =	vst v63  }
0xa9: {  	_ = 	snop  }
0xaa: {  	[tilespmem:s14], [sflag:$0x1] =	stream.indirect_vreg.gather [hbm4b:s2+s4], $0x80, v4, vm0, $0xb8;
	[tilespmem:$0xB900] =	vst v63  }
0xab: {  	v4 =	vld.idx.msk [tilespmem:v3+s1+$0x10 ss:$0x1], $0xffff;
	_ =	sdelay $0x4  }
0xac: {  	v5 =	vshll.u32 v4, $0x1  }
0xad: {  	v4 =	vand.u32 $0x7, v4;
	v5 =	vand.u32 $0xFFFFFFF0, v5  }
0xae: {  	v4 =	vor.u32 v4, v5  }
0xaf: {  	v5 =	vperm.xlane v4, v0;
	_ =	sdelay $0x1  }
0xb0: {  	v4 =	vperm.xlane v4, v2;
	v5 =	vadd.s32 v1, v5;
	_ =	sdelay $0x1  }
0xb1: {  	v4 =	vadd.s32 v1, v4;
	_ =	sdelay $0x2  }
0xb2: {  	[tilespmem:s15], [sflag:$0x1] =	stream.indirect_vreg.gather [hbm4b:s2+s4], $0x80, v5, vm0, $0xb8;
	[tilespmem:$0xB900] =	vst v63  }
0xb3: {  	_ = 	snop  }
0xb4: {  	[tilespmem:s16], [sflag:$0x1] =	stream.indirect_vreg.gather [hbm4b:s2+s4], $0x80, v4, vm0, $0xb8;
	[tilespmem:$0xB900] =	vst v63  }
0xb5: {  	v4 =	vld.idx.msk [tilespmem:v3+s1+$0x20 ss:$0x1], $0xff;
	_ =	sdelay $0x4  }
0xb6: {  	v5 =	vshll.u32 v4, $0x1  }
0xb7: {  	v4 =	vand.u32 $0x7, v4;
	v5 =	vand.u32 $0xFFFFFFF0, v5  }
0xb8: {  	v4 =	vor.u32 v4, v5  }
0xb9: {  	v4 =	vperm.xlane v4, v0;
	_ =	sdelay $0x1  }
0xba: {  	v4 =	vadd.s32 v1, v4;
	_ =	sdelay $0x4  }
0xbb: {  	[tilespmem:s17], [sflag:$0x1] =	stream.indirect_vreg.gather [hbm4b:s2+s4], $0x80, v4, vm0, $0xb8;
	[tilespmem:$0xB900] =	vst v63  }
0xbc: {  	v4 =	vld.idx.msk [tilespmem:v3+s1+$0xC80 ss:$0x1], $0xffff;
	_ =	sdelay $0x4  }
0xbd: {  	v5 =	vshll.u32 v4, $0x1  }
0xbe: {  	v4 =	vand.u32 $0x7, v4;
	v5 =	vand.u32 $0xFFFFFFF0, v5  }
0xbf: {  	v4 =	vor.u32 v4, v5  }
0xc0: {  	v5 =	vperm.xlane v4, v0;
	_ =	sdelay $0x1  }
0xc1: {  	v4 =	vperm.xlane v4, v2;
	v5 =	vadd.s32 v1, v5;
	_ =	sdelay $0x1  }
0xc2: {  	v4 =	vadd.s32 v1, v4;
	_ =	sdelay $0x2  }
0xc3: {  	[tilespmem:s18], [sflag:$0x1] =	stream.indirect_vreg.gather [hbm4b:s2+s4], $0x80, v5, vm0, $0xb8;
	[tilespmem:$0xB900] =	vst v63  }
0xc4: {  	_ = 	snop  }
0xc5: {  	[tilespmem:s19], [sflag:$0x1] =	stream.indirect_vreg.gather [hbm4b:s2+s4], $0x80, v4, vm0, $0xb8;
	[tilespmem:$0xB900] =	vst v63  }
0xc6: {  	v4 =	vld.idx.msk [tilespmem:v3+s1+$0xC90 ss:$0x1], $0xffff;
	_ =	sdelay $0x4  }
0xc7: {  	v5 =	vshll.u32 v4, $0x1  }
0xc8: {  	v4 =	vand.u32 $0x7, v4;
	v5 =	vand.u32 $0xFFFFFFF0, v5  }
0xc9: {  	v4 =	vor.u32 v4, v5  }
0xca: {  	v5 =	vperm.xlane v4, v0;
	_ =	sdelay $0x1  }
0xcb: {  	v4 =	vperm.xlane v4, v2;
	v5 =	vadd.s32 v1, v5;
	_ =	sdelay $0x1  }
0xcc: {  	v4 =	vadd.s32 v1, v4;
	_ =	sdelay $0x2  }
0xcd: {  	[tilespmem:s20], [sflag:$0x1] =	stream.indirect_vreg.gather [hbm4b:s2+s4], $0x80, v5, vm0, $0xb8;
	[tilespmem:$0xB900] =	vst v63  }
0xce: {  	_ = 	snop  }
0xcf: {  	[tilespmem:s21], [sflag:$0x1] =	stream.indirect_vreg.gather [hbm4b:s2+s4], $0x80, v4, vm0, $0xb8;
	[tilespmem:$0xB900] =	vst v63  }
0xd0: {  	v4 =	vld.idx.msk [tilespmem:v3+s1+$0xCA0 ss:$0x1], $0xff;
	_ =	sdelay $0x4  }
0xd1: {  	v5 =	vshll.u32 v4, $0x1  }
0xd2: {  	v4 =	vand.u32 $0x7, v4;
	v5 =	vand.u32 $0xFFFFFFF0, v5  }
0xd3: {  	v4 =	vor.u32 v4, v5  }
0xd4: {  	v4 =	vperm.xlane v4, v0;
	_ =	sdelay $0x1  }
0xd5: {  	v4 =	vadd.s32 v1, v4;
	_ =	sdelay $0x4  }
0xd6: {  	[tilespmem:s22], [sflag:$0x1] =	stream.indirect_vreg.gather [hbm4b:s2+s4], $0x80, v4, vm0, $0xb8;
	[tilespmem:$0xB900] =	vst v63  }
0xd7: {  	_ =	swait.ge [sflag:s25], $0x2800  }
0xd8: {  	s30 =	sadd.s32 s5, s29;
	[sflag:s25] =	ssyncset.done $0x0  }
0xd9: {  	s1 =	smul.u32 $0x5000, s30;
	[sflag:s25] =	ssyncadd.s32 $0xFFFFD800  }
0xda: {  	_ =	swait.ge [sflag:s25], $0x2800  }
0xdb: {  	s1 =	sshrl.u32 s1, $0x3;
	[sflag:s25] =	ssyncset.done $0x0  }
0xdc: {  	s1 =	sadd.s32 s3, s1;
	[sflag:s25] =	ssyncadd.s32 $0xFFFFD800  }
0xdd: {  	[hbm4b:s1+s4] =	stream.linear.scatter [tilespmem:s23], [sflag:$0x3], $0x5000, $0x38;
	[tilespmem:$0xB900] =	vst v63  }
0xde: {  	_ =	swait.ge [sflag:s11], $0x5000  }
0xdf: {  	s31 =	rddreg [dreg:$0x5]  }
0xe0: {  	p0 =	sne.s32 s31, s28  }
.Ltmp0:
0xe1: {  	_ = 	snop;
	(pc) =	sbr.rel @p0 .LBB2_2-.Ltmp0, $3  }
0xe2: {  	_ =	sdelay $0x1  }
0xe3: {  	[sflag:s11] =	ssyncset.done $0x0  }
0xe4: {  	[sflag:s11] =	ssyncadd.s32 $0xFFFFB000  }
0xe5: {  	s26 =	sadd.s32 $0x1, s26  }
0xe6: {  	_ =	swait.ge [sflag:s24], $0x2800;
	p0 =	sne.s32 s26, s10  }
.Ltmp1:
0xe7: {  	[sflag:s24] =	ssyncset.done $0x0;
	(pc) =	sbr.rel @p0 .LBB2_1-.Ltmp1, $4  }
0xe8: {  	[sflag:s24] =	ssyncadd.s32 $0xFFFFD800  }
0xe9: {  	_ =	swait.ge [sflag:s24], $0x2800  }
0xea: {  	[sflag:s24] =	ssyncset.done $0x0  }
0xeb: {  	[sflag:s24] =	ssyncadd.s32 $0xFFFFD800  }
0xec: {  	_ =	sfence.sel $0x180000  }
0xed: {  	[bflag:$0x0] =	sbarrier.arrive $0xFFFF  }
0xee: {  	_ =	strace $0x90000047  }
0xef: {  	[bflag:$0x2] =	sbarrier.arrive $0xFFFF  }
0xf0: {  	p0 =	sne.s32 s0, $0x0;
	s0 =	rddreg [dreg:$0x4]  }
0xf1: {  	s0 =	sadd.s32 @!p0 $0x100000, s0  }
0xf2: {  	[sflag:s0] =	ssyncadd.tile.s32 @!p0 $0x1;
	_ =	shalt  }
.Lfunc_end2:
_tile_overlayer_lowered:
.L_overlay_start_2:
0xf3: {  	(tag) =	ssettag $0x2  }
0xf4: {  	s0 =	rddreg [dreg:$0x0];
	s2 =	stileid.u32  }
0xf5: {  	s1 =	rddreg [dreg:$0x1];
	p0 =	sne.s32 s2, $0x0  }
0xf6: {  	s3 =	rddreg [dreg:$0x2];
	[bflag:$0x3] =	sbarrier.arrive $0xFFFF;
	s2 =	simm.s32 @!p0 $0x1C03  }
0xf7: {  	[timem:s3], [sflag:s2] =	dma.local @!p0 [hbm:s0], s1  }
0xf8: {  	s0 =	simm.s32 @!p0 $0x3  }
0xf9: {  	_ =	swait.ge @!p0 [sflag:s0], s1  }
0xfa: {  	s1 =	ssub.s32 @!p0 $0x0, s1;
	[sflag:s0] =	ssyncset.done @!p0 $0x0  }
0xfb: {  	[sflag:s0] =	ssyncadd.s32 @!p0 s1  }
0xfc: {  	[bflag:$0x3] =	sbarrier.arrive $0xFFFF  }
0xfd: {  	_ =	shalt  }

</sc_bundles>
